<compile_context>
chip_gen: v7x
topology: tpu7x:2x2x1
jax: 0.10.2.dev20260603
libtpu: 0.0.44.dev20260713+nightly
codegen_flags: <defaults>
</compile_context>

<pallas_src>
import functools

import jax
import jax.numpy as jnp
from jax import lax
from jax.experimental import pallas as pl
from jax.experimental.pallas import tpu as pltpu
from jax.experimental.pallas import tpu_sc as plsc

N = 10000
E = 160000
D = 256
H = 128
DH = 128
NS = 16
EPT = E // NS
EPT_DEG = E // (2 * NS)
NB = EPT // 128
TAIL = EPT - NB * 128
HIST_R = 80
ROWS_PT = N // NS



NBINS = HIST_R * 128
CHUNK = NBINS // NS
FULL16 = EPT_DEG // 16


def _deg_body(dst_hbm, out0_hbm, out1_hbm, idx_v, hist_v, tmp_v, acc_v,
              part_sh):
  c = lax.axis_index("c")
  s = lax.axis_index("s")
  zeros = jnp.zeros((16,), jnp.float32)
  ones = jnp.ones((16,), jnp.float32)

  def zbin(k, carry):
    hist_v[pl.ds(k * 16, 16)] = zeros
    return carry
  lax.fori_loop(0, NBINS // 16, zbin, 0)

  tid = s * 2 + c
  pltpu.sync_copy(dst_hbm.at[pl.ds(tid * EPT_DEG, EPT_DEG)],
                  idx_v.at[pl.ds(0, EPT_DEG)])

  def body(i, carry):
    idx = idx_v[pl.ds(i * 16, 16)]
    plsc.addupdate_scatter(hist_v, [idx], ones)
    return carry
  lax.fori_loop(0, FULL16, body, 0)
  tail = idx_v[pl.ds(FULL16 * 16, 16)]
  plsc.addupdate_scatter(hist_v, [tail], ones,
                         mask=lax.iota(jnp.int32, 16) < (EPT_DEG - FULL16 * 16))

  pltpu.sync_copy(hist_v, part_sh.at[s])
  plsc.subcore_barrier()

  def zacc(k, carry):
    acc_v[pl.ds(k * 16, 16)] = zeros
    return carry
  lax.fori_loop(0, CHUNK // 16, zacc, 0)

  def merge(t, carry):
    pltpu.sync_copy(part_sh.at[t, pl.ds(s * CHUNK, CHUNK)], tmp_v)

    def addk(k, carry2):
      sl = pl.ds(k * 16, 16)
      acc_v[sl] = acc_v[sl] + tmp_v[sl]
      return carry2
    lax.fori_loop(0, CHUNK // 16, addk, 0)
    return carry
  lax.fori_loop(0, NS, merge, 0)

  @pl.when(c == 0)
  def _():
    pltpu.sync_copy(acc_v, out0_hbm.at[pl.ds(s * CHUNK, CHUNK)])

  @pl.when(c == 1)
  def _():
    pltpu.sync_copy(acc_v, out1_hbm.at[pl.ds(s * CHUNK, CHUNK)])


_deg_kernel = functools.partial(
    pl.kernel,
    out_type=[jax.ShapeDtypeStruct((NBINS,), jnp.float32),
              jax.ShapeDtypeStruct((NBINS,), jnp.float32)],
    mesh=plsc.VectorSubcoreMesh(core_axis_name="c", subcore_axis_name="s"),
    compiler_params=pltpu.CompilerParams(needs_layout_passes=False),
    scratch_types=[
        pltpu.VMEM((EPT_DEG + 8,), jnp.int32),
        pltpu.VMEM((NBINS,), jnp.float32),
        pltpu.VMEM((CHUNK,), jnp.float32),
        pltpu.VMEM((CHUNK,), jnp.float32),
        pltpu.VMEM_SHARED((NS, NBINS), jnp.float32),
    ],
)(_deg_body)



def _seg_body(xs_lo_hbm, xs_hi_hbm, src_hbm, dst_hbm, out_lo, out_hi,
              idx_s, idx_d, rows, idx_st, idx_dt, rows_t, sem, acc_sh):
  c = lax.axis_index("c")
  s = lax.axis_index("s")

  def zrow(k, carry):
    r = k // 8
    c0 = (k % 8) * 16
    rows[r, pl.ds(c0, 16)] = jnp.zeros((16,), jnp.float32)
    return carry
  lax.fori_loop(0, 128 * 8, zrow, 0)

  def zacc(j, carry):
    pltpu.sync_copy(rows, acc_sh.at[pl.ds((s * 5 + j) * 128, 128)])
    return carry
  lax.fori_loop(0, 5, zacc, 0)
  plsc.subcore_barrier()

  e0 = s * EPT

  def run(xs_hbm, out_hbm):
    def blk(i, carry):
      off = e0 + i * 128
      pltpu.sync_copy(src_hbm.at[pl.ds(off, 128)], idx_s)
      pltpu.async_copy(xs_hbm.at[idx_s], rows, sem).wait()
      pltpu.sync_copy(dst_hbm.at[pl.ds(off, 128)], idx_d)
      pltpu.sync_copy(rows, acc_sh.at[idx_d], add=True)
      return carry
    lax.fori_loop(0, NB, blk, 0)

    off = e0 + NB * 128
    pltpu.sync_copy(src_hbm.at[pl.ds(off, TAIL)], idx_st)
    pltpu.async_copy(xs_hbm.at[idx_st], rows_t, sem).wait()
    pltpu.sync_copy(dst_hbm.at[pl.ds(off, TAIL)], idx_dt)
    pltpu.sync_copy(rows_t, acc_sh.at[idx_dt], add=True)

    plsc.subcore_barrier()
    pltpu.sync_copy(acc_sh.at[pl.ds(s * 640, 640)],
                    out_hbm.at[pl.ds(s * 640, 640)])

  @pl.when(c == 0)
  def _():
    run(xs_lo_hbm, out_lo)

  @pl.when(c == 1)
  def _():
    run(xs_hi_hbm, out_hi)


_seg_kernel = functools.partial(
    pl.kernel,
    out_type=[jax.ShapeDtypeStruct((HIST_R * 128, DH), jnp.float32),
              jax.ShapeDtypeStruct((HIST_R * 128, DH), jnp.float32)],
    mesh=plsc.VectorSubcoreMesh(core_axis_name="c", subcore_axis_name="s"),
    scratch_types=[
        pltpu.VMEM((128,), jnp.int32),
        pltpu.VMEM((128,), jnp.int32),
        pltpu.VMEM((128, DH), jnp.float32),
        pltpu.VMEM((TAIL,), jnp.int32),
        pltpu.VMEM((TAIL,), jnp.int32),
        pltpu.VMEM((TAIL, DH), jnp.float32),
        pltpu.SemaphoreType.DMA,
        pltpu.VMEM_SHARED((HIST_R * 128, DH), jnp.float32),
    ],
)(_seg_body)



RB = 1000


def _scale_mm_body(x_ref, w_ref, deg_ref, lo_ref, hi_ref, dinv_ref):
  dinv = lax.rsqrt(deg_ref[...] + 1.0)
  xw = jnp.dot(x_ref[...], w_ref[...], preferred_element_type=jnp.float32)
  xs = xw * dinv
  lo_ref[...] = xs[:, :DH]
  hi_ref[...] = xs[:, DH:]
  dinv_ref[...] = dinv


def _scale_mm(x, w, deg0):
  grid = (N // RB,)
  return pl.pallas_call(
      _scale_mm_body,
      grid=grid,
      in_specs=[
          pl.BlockSpec((RB, D), lambda i: (i, 0)),
          pl.BlockSpec((D, D), lambda i: (0, 0)),
          pl.BlockSpec((RB, 1), lambda i: (i, 0)),
      ],
      out_specs=[
          pl.BlockSpec((RB, DH), lambda i: (i, 0)),
          pl.BlockSpec((RB, DH), lambda i: (i, 0)),
          pl.BlockSpec((RB, 1), lambda i: (i, 0)),
      ],
      out_shape=[
          jax.ShapeDtypeStruct((N, DH), jnp.float32),
          jax.ShapeDtypeStruct((N, DH), jnp.float32),
          jax.ShapeDtypeStruct((N, 1), jnp.float32),
      ],
  )(x, w, deg0)



def _mlp_body(x_ref, xslo_ref, xshi_ref, acclo_ref, acchi_ref, dinv_ref,
              bgcn_ref, w1_ref, b1_ref, w2_ref, b2_ref, wd_ref, bd_ref,
              out_ref):
  dinv = dinv_ref[...]
  bg = bgcn_ref[...]
  conv_lo = dinv * (acclo_ref[...] + xslo_ref[...]) + bg[:, :DH]
  conv_hi = dinv * (acchi_ref[...] + xshi_ref[...]) + bg[:, DH:]
  x = x_ref[...]
  h_lo = jnp.maximum(conv_lo, 0.0) + x[:, :DH]
  h_hi = jnp.maximum(conv_hi, 0.0) + x[:, DH:]
  w1 = w1_ref[...]
  t = (jnp.dot(h_lo, w1[:DH, :], preferred_element_type=jnp.float32)
       + jnp.dot(h_hi, w1[DH:, :], preferred_element_type=jnp.float32)
       + b1_ref[...])
  t = jnp.where(t > 0, t, 0.01 * t)
  t = jnp.dot(t, w2_ref[...], preferred_element_type=jnp.float32) + b2_ref[...]
  t = jnp.where(t > 0, t, 0.01 * t)
  a = jnp.dot(t, wd_ref[...], preferred_element_type=jnp.float32) + bd_ref[...]
  out_ref[...] = jnp.maximum(a, 0.0) + jnp.log1p(jnp.exp(-jnp.abs(a))) + 1e-20


def _mlp(x, xs_lo, xs_hi, acc_lo, acc_hi, dinv, b_gcn, w1, b1, w2, b2, wd, bd):
  grid = (N // RB,)
  full = lambda r, c: pl.BlockSpec((r, c), lambda i: (0, 0))
  return pl.pallas_call(
      _mlp_body,
      grid=grid,
      in_specs=[
          pl.BlockSpec((RB, D), lambda i: (i, 0)),
          pl.BlockSpec((RB, DH), lambda i: (i, 0)),
          pl.BlockSpec((RB, DH), lambda i: (i, 0)),
          pl.BlockSpec((RB, DH), lambda i: (i, 0)),
          pl.BlockSpec((RB, DH), lambda i: (i, 0)),
          pl.BlockSpec((RB, 1), lambda i: (i, 0)),
          full(1, D),
          full(D, H),
          full(1, H),
          full(H, H),
          full(1, H),
          full(H, 1),
          full(1, 1),
      ],
      out_specs=pl.BlockSpec((RB, 1), lambda i: (i, 0)),
      out_shape=jax.ShapeDtypeStruct((N, 1), jnp.float32),
  )(x, xs_lo, xs_hi, acc_lo, acc_hi, dinv, b_gcn, w1, b1, w2, b2, wd, bd)



def kernel(x, W_gcn, b_gcn, W1, b1, W2, b2, Wd, bd, edge_index):
  src = edge_index[0]
  dst = edge_index[1]

  hist0, hist1 = _deg_kernel(dst)
  deg0 = (hist0 + hist1)[:N, None]

  xs_lo, xs_hi, dinv = _scale_mm(x, W_gcn, deg0)

  acc_lo, acc_hi = _seg_kernel(xs_lo, xs_hi, src, dst)

  out = _mlp(x, xs_lo, xs_hi, acc_lo, acc_hi, dinv,
             b_gcn.reshape(1, D), W1, b1.reshape(1, H),
             W2, b2.reshape(1, H), Wd, bd.reshape(1, 1))
  return out.reshape(-1)

# --- scband reference (transcript-rebuilt; emitter-appended) ---
"""Pipeline reference for scband-gnnactor-60258391162970 (READ-ONLY COPY).

The authoritative reference and input builder live on the scoring server;
editing this copy changes nothing except your own understanding.
"""

import jax, jax.numpy as jnp
import numpy as np

N = 10000
E = 160000
D = 256
H = 128
ACT = 8


def setup_inputs(seed: int = 0) -> dict:
    key = jax.random.key(seed)
    ks = jax.random.split(key, 12)
    x = jax.random.normal(ks[0], (N, D), dtype=jnp.float32)
    edge_index = jax.random.randint(ks[1], (2, E), 0, N, dtype=jnp.int32)
    # GCNConv(in_channels=D, out_channels=D): weight applied before aggregation, bias after
    W_gcn = jax.random.normal(ks[2], (D, D), dtype=jnp.float32) * (1.0 / np.sqrt(D))
    b_gcn = jnp.zeros((D,), dtype=jnp.float32)
    W1 = jax.random.normal(ks[3], (D, H), dtype=jnp.float32) * (1.0 / np.sqrt(D))
    b1 = jax.random.normal(ks[4], (H,), dtype=jnp.float32) * 0.01
    W2 = jax.random.normal(ks[5], (H, H), dtype=jnp.float32) * (1.0 / np.sqrt(H))
    b2 = jax.random.normal(ks[6], (H,), dtype=jnp.float32) * 0.01
    Wd = jax.random.normal(ks[7], (H, 1), dtype=jnp.float32) * (1.0 / np.sqrt(H))
    bd = jnp.zeros((1,), dtype=jnp.float32)
    return {"x": x, "W_gcn": W_gcn, "b_gcn": b_gcn, "W1": W1, "b1": b1,
            "W2": W2, "b2": b2, "Wd": Wd, "bd": bd, "edge_index": edge_index}


def reference(x, W_gcn, b_gcn, W1, b1, W2, b2, Wd, bd, edge_index):
    n = x.shape[0]
    # GCNConv with self-loops and symmetric normalization (PyG semantics)
    loop = jnp.arange(n, dtype=edge_index.dtype)
    src = jnp.concatenate([edge_index[0], loop])
    dst = jnp.concatenate([edge_index[1], loop])
    deg = jax.ops.segment_sum(jnp.ones_like(dst, dtype=x.dtype), dst, num_segments=n)
    dinv = jnp.where(deg > 0, deg ** -0.5, 0.0)
    norm = dinv[src] * dinv[dst]
    xw = x @ W_gcn
    msg = norm[:, None] * jnp.take(xw, src, axis=0)
    conv = jax.ops.segment_sum(msg, dst, num_segments=n) + b_gcn
    out = jax.nn.relu(conv)
    h = out + x
    h = h.reshape(-1, ACT, D)
    h = jax.nn.leaky_relu(h @ W1 + b1, negative_slope=0.01)
    h = jax.nn.leaky_relu(h @ W2 + b2, negative_slope=0.01)
    a = h @ Wd + bd
    a_out = jax.nn.softplus(a).reshape(-1) + 1e-20
    # include_price=False branch: module returns a_out (Dirichlet sampling is
    # computed but not returned, so it is omitted for determinism)
    return a_out

if __name__ == "__main__":
    import jax
    _d = setup_inputs()
    print(jax.jit(kernel)(*tuple(_d.values())))

</pallas_src>

<mosaic_0001>
#map = affine_map<(d0, d1) -> (0)>
module attributes {stable_mosaic.version = 14 : i64} {
  func.func @_deg_body(%arg0: i32, %arg1: i32, %arg2: memref<160000xi32, #tpu.memory_space<hbm>>, %arg3: memref<10240xf32, #tpu.memory_space<hbm>>, %arg4: memref<10240xf32, #tpu.memory_space<hbm>>, %arg5: memref<5008xi32, #tpu.memory_space<vmem>>, %arg6: memref<10240xf32, #tpu.memory_space<vmem>>, %arg7: memref<640xf32, #tpu.memory_space<vmem>>, %arg8: memref<640xf32, #tpu.memory_space<vmem>>, %arg9: memref<16x10240xf32, #tpu.memory_space<vmem_shared>>) attributes {dimension_semantics = [#tpu.dimension_semantics<core_parallel>, #tpu.dimension_semantics<subcore_parallel>], iteration_bounds = array<i64: 2, 16>, scalar_prefetch = 0 : i64, scratch_operands = 5 : i64, tpu.core_type = #tpu.core_type<sc_vector_subcore>, window_params = [{transform_indices = #map}, {transform_indices = #map}, {transform_indices = #map}]} {
    %broadcast_in_dim3A = arith.constant 0.000000e+00 : f32
    %broadcast_in_dim3A_0 = vector.broadcast %broadcast_in_dim3A : f32 to vector<16xf32>
    %broadcast_in_dim3A_1 = arith.constant 1.000000e+00 : f32
    %broadcast_in_dim3A_2 = vector.broadcast %broadcast_in_dim3A_1 : f32 to vector<16xf32>
    %scan3A = arith.constant 0 : i32
    %scan3A_3 = arith.constant 0 : i32
    %scan3A_4 = arith.constant 640 : i32
    %scan3A_5 = arith.addi %scan3A_3, %scan3A_4 : i32
    %scan3A_6 = arith.constant 1 : i32
    scf.for %scan3A_39 = %scan3A_3 to %scan3A_5 step %scan3A_6  : i32 {
      %mul3A_40 = arith.constant 16 : i32
      %mul3A_41 = arith.muli %scan3A_39, %mul3A_40 : i32
      %swap3A = arith.index_cast %mul3A_41 : i32 to index
      %swap3A_42 = tpu.vector_load %arg6[%swap3A] {strides = array<i32>} : memref<10240xf32, #tpu.memory_space<vmem>>, vector<16xf32>,
      tpu.vector_store %arg6[%swap3A], %broadcast_in_dim3A_0 {strides = array<i32>} : memref<10240xf32, #tpu.memory_space<vmem>>, vector<16xf32>,
    }
    %scan3A_7 = arith.constant 640 : i32
    %mul3A = arith.constant 2 : i32
    %mul3A_8 = arith.muli %arg1, %mul3A : i32
    %add3A = arith.addi %mul3A_8, %arg0 : i32
    %mul3A_9 = arith.constant 5000 : i32
    %mul3A_10 = arith.muli %add3A, %mul3A_9 : i32
    "tpu.region"() ({
      %run_scoped3A = tpu.sem_alloc : memref<!tpu.dma_semaphore, #tpu.memory_space<semaphore_mem>>
      %dma_start3A = arith.constant 0 : i32
      %dma_start3A_39 = tpu.memref_slice %arg5[%dma_start3A] : memref<5008xi32, #tpu.memory_space<vmem>> -> memref<5000xi32, #tpu.memory_space<vmem>>
      %dma_start3A_40 = tpu.memref_slice %arg2[%mul3A_10] : memref<160000xi32, #tpu.memory_space<hbm>> -> memref<5000xi32, #tpu.memory_space<hbm>>
      %dma_start3A_41 = arith.constant 0 : i32
      %dma_start3A_42 = tpu.memref_slice %arg5[%dma_start3A_41] : memref<5008xi32, #tpu.memory_space<vmem>> -> memref<5000xi32, #tpu.memory_space<vmem>>
      %dma_start3A_43 = tpu.memref_slice %arg2[%mul3A_10] : memref<160000xi32, #tpu.memory_space<hbm>> -> memref<5000xi32, #tpu.memory_space<hbm>>
      tpu.enqueue_dma source(%dma_start3A_43 : memref<5000xi32, #tpu.memory_space<hbm>>) target(%dma_start3A_42 : memref<5000xi32, #tpu.memory_space<vmem>>) target_semaphore(%run_scoped3A : memref<!tpu.dma_semaphore, #tpu.memory_space<semaphore_mem>>)
      %dma_wait3A = arith.constant 0 : i32
      %dma_wait3A_44 = tpu.memref_slice %arg5[%dma_wait3A] : memref<5008xi32, #tpu.memory_space<vmem>> -> memref<5000xi32, #tpu.memory_space<vmem>>
      %dma_wait3A_45 = tpu.memref_slice %arg2[%mul3A_10] : memref<160000xi32, #tpu.memory_space<hbm>> -> memref<5000xi32, #tpu.memory_space<hbm>>
      %dma_wait3A_46 = arith.constant 0 : i32
      %dma_wait3A_47 = tpu.memref_slice %arg5[%dma_wait3A_46] : memref<5008xi32, #tpu.memory_space<vmem>> -> memref<5000xi32, #tpu.memory_space<vmem>>
      %dma_wait3A_48 = tpu.memref_slice %arg2[%mul3A_10] : memref<160000xi32, #tpu.memory_space<hbm>> -> memref<5000xi32, #tpu.memory_space<hbm>>
      tpu.wait_dma2 semaphore(%run_scoped3A : memref<!tpu.dma_semaphore, #tpu.memory_space<semaphore_mem>>) src(%dma_wait3A_48 : memref<5000xi32, #tpu.memory_space<hbm>>) dst(%dma_wait3A_47 : memref<5000xi32, #tpu.memory_space<vmem>>)
      tpu.yield
    }) : () -> ()
    %scan3A_11 = arith.constant 0 : i32
    %scan3A_12 = arith.constant 0 : i32
    %scan3A_13 = arith.constant 312 : i32
    %scan3A_14 = arith.addi %scan3A_12, %scan3A_13 : i32
    %scan3A_15 = arith.constant 1 : i32
    scf.for %scan3A_39 = %scan3A_12 to %scan3A_14 step %scan3A_15  : i32 {
      %mul3A_40 = arith.constant 16 : i32
      %mul3A_41 = arith.muli %scan3A_39, %mul3A_40 : i32
      %get3A_42 = arith.index_cast %mul3A_41 : i32 to index
      %get3A_43 = tpu.vector_load %arg5[%get3A_42] {strides = array<i32>} : memref<5008xi32, #tpu.memory_space<vmem>>, vector<16xi32>,
      tpu.vector_store_idx %arg6[%get3A_43], %broadcast_in_dim3A_2 {add = true} : memref<10240xf32, #tpu.memory_space<vmem>>[vector<16xi32>], vector<16xf32>,
    }
    %scan3A_16 = arith.constant 312 : i32
    %get3A = arith.constant 4992 : index
    %get3A_17 = tpu.vector_load %arg5[%get3A] {strides = array<i32>} : memref<5008xi32, #tpu.memory_space<vmem>>, vector<16xi32>,
    %iota3A = tpu.iota {dimensions = array<i32: 0>} : vector<16xi32>
    %lt3A = arith.constant 8 : i32
    %lt3A_18 = vector.broadcast %lt3A : i32 to vector<16xi32>
    %lt3A_19 = arith.cmpi slt, %iota3A, %lt3A_18 : vector<16xi32>
    tpu.vector_store_idx %arg6[%get3A_17], %broadcast_in_dim3A_2 masked %lt3A_19 {add = true} : memref<10240xf32, #tpu.memory_space<vmem>>[vector<16xi32>], vector<16xf32>, vector<16xi1>
    "tpu.region"() ({
      %run_scoped3A = tpu.sem_alloc : memref<!tpu.dma_semaphore, #tpu.memory_space<semaphore_mem>>
      %dma_start3A = arith.constant 0 : i32
      %dma_start3A_39 = tpu.memref_slice %arg9[%arg1, %dma_start3A] : memref<16x10240xf32, #tpu.memory_space<vmem_shared>> -> memref<1x10240xf32, #tpu.memory_space<vmem_shared>>
      %dma_start3A_40 = tpu.memref_squeeze %dma_start3A_39 : memref<1x10240xf32, #tpu.memory_space<vmem_shared>> -> memref<10240xf32, #tpu.memory_space<vmem_shared>>
      %dma_start3A_41 = arith.constant 0 : i32
      %dma_start3A_42 = tpu.memref_slice %arg9[%arg1, %dma_start3A_41] : memref<16x10240xf32, #tpu.memory_space<vmem_shared>> -> memref<1x10240xf32, #tpu.memory_space<vmem_shared>>
      %dma_start3A_43 = tpu.memref_squeeze %dma_start3A_42 : memref<1x10240xf32, #tpu.memory_space<vmem_shared>> -> memref<10240xf32, #tpu.memory_space<vmem_shared>>
      tpu.enqueue_dma source(%arg6 : memref<10240xf32, #tpu.memory_space<vmem>>) target(%dma_start3A_43 : memref<10240xf32, #tpu.memory_space<vmem_shared>>) target_semaphore(%run_scoped3A : memref<!tpu.dma_semaphore, #tpu.memory_space<semaphore_mem>>)
      %dma_wait3A = arith.constant 0 : i32
      %dma_wait3A_44 = tpu.memref_slice %arg9[%arg1, %dma_wait3A] : memref<16x10240xf32, #tpu.memory_space<vmem_shared>> -> memref<1x10240xf32, #tpu.memory_space<vmem_shared>>
      %dma_wait3A_45 = tpu.memref_squeeze %dma_wait3A_44 : memref<1x10240xf32, #tpu.memory_space<vmem_shared>> -> memref<10240xf32, #tpu.memory_space<vmem_shared>>
      %dma_wait3A_46 = arith.constant 0 : i32
      %dma_wait3A_47 = tpu.memref_slice %arg9[%arg1, %dma_wait3A_46] : memref<16x10240xf32, #tpu.memory_space<vmem_shared>> -> memref<1x10240xf32, #tpu.memory_space<vmem_shared>>
      %dma_wait3A_48 = tpu.memref_squeeze %dma_wait3A_47 : memref<1x10240xf32, #tpu.memory_space<vmem_shared>> -> memref<10240xf32, #tpu.memory_space<vmem_shared>>
      tpu.wait_dma2 semaphore(%run_scoped3A : memref<!tpu.dma_semaphore, #tpu.memory_space<semaphore_mem>>) src(%arg6 : memref<10240xf32, #tpu.memory_space<vmem>>) dst(%dma_wait3A_48 : memref<10240xf32, #tpu.memory_space<vmem_shared>>)
      tpu.yield
    }) : () -> ()
    %barrier3A = arith.constant 0 : index
    tpu.barrier barrier_id(%barrier3A)
    %scan3A_20 = arith.constant 0 : i32
    %scan3A_21 = arith.constant 0 : i32
    %scan3A_22 = arith.constant 40 : i32
    %scan3A_23 = arith.addi %scan3A_21, %scan3A_22 : i32
    %scan3A_24 = arith.constant 1 : i32
    scf.for %scan3A_39 = %scan3A_21 to %scan3A_23 step %scan3A_24  : i32 {
      %mul3A_40 = arith.constant 16 : i32
      %mul3A_41 = arith.muli %scan3A_39, %mul3A_40 : i32
      %swap3A = arith.index_cast %mul3A_41 : i32 to index
      %swap3A_42 = tpu.vector_load %arg8[%swap3A] {strides = array<i32>} : memref<640xf32, #tpu.memory_space<vmem>>, vector<16xf32>,
      tpu.vector_store %arg8[%swap3A], %broadcast_in_dim3A_0 {strides = array<i32>} : memref<640xf32, #tpu.memory_space<vmem>>, vector<16xf32>,
    }
    %scan3A_25 = arith.constant 40 : i32
    %scan3A_26 = arith.constant 0 : i32
    %scan3A_27 = arith.constant 0 : i32
    %scan3A_28 = arith.constant 16 : i32
    %scan3A_29 = arith.addi %scan3A_27, %scan3A_28 : i32
    %scan3A_30 = arith.constant 1 : i32
    scf.for %scan3A_39 = %scan3A_27 to %scan3A_29 step %scan3A_30  : i32 {
      %mul3A_40 = arith.constant 640 : i32
      %mul3A_41 = arith.muli %arg1, %mul3A_40 : i32
      "tpu.region"() ({
        %run_scoped3A = tpu.sem_alloc : memref<!tpu.dma_semaphore, #tpu.memory_space<semaphore_mem>>
        %dma_start3A = tpu.memref_slice %arg9[%scan3A_39, %mul3A_41] : memref<16x10240xf32, #tpu.memory_space<vmem_shared>> -> memref<1x640xf32, #tpu.memory_space<vmem_shared>>
        %dma_start3A_48 = tpu.memref_squeeze %dma_start3A : memref<1x640xf32, #tpu.memory_space<vmem_shared>> -> memref<640xf32, #tpu.memory_space<vmem_shared>>
        %dma_start3A_49 = tpu.memref_slice %arg9[%scan3A_39, %mul3A_41] : memref<16x10240xf32, #tpu.memory_space<vmem_shared>> -> memref<1x640xf32, #tpu.memory_space<vmem_shared>>
        %dma_start3A_50 = tpu.memref_squeeze %dma_start3A_49 : memref<1x640xf32, #tpu.memory_space<vmem_shared>> -> memref<640xf32, #tpu.memory_space<vmem_shared>>
        tpu.enqueue_dma source(%dma_start3A_50 : memref<640xf32, #tpu.memory_space<vmem_shared>>) target(%arg7 : memref<640xf32, #tpu.memory_space<vmem>>) target_semaphore(%run_scoped3A : memref<!tpu.dma_semaphore, #tpu.memory_space<semaphore_mem>>)
        %dma_wait3A = tpu.memref_slice %arg9[%scan3A_39, %mul3A_41] : memref<16x10240xf32, #tpu.memory_space<vmem_shared>> -> memref<1x640xf32, #tpu.memory_space<vmem_shared>>
        %dma_wait3A_51 = tpu.memref_squeeze %dma_wait3A : memref<1x640xf32, #tpu.memory_space<vmem_shared>> -> memref<640xf32, #tpu.memory_space<vmem_shared>>
        %dma_wait3A_52 = tpu.memref_slice %arg9[%scan3A_39, %mul3A_41] : memref<16x10240xf32, #tpu.memory_space<vmem_shared>> -> memref<1x640xf32, #tpu.memory_space<vmem_shared>>
        %dma_wait3A_53 = tpu.memref_squeeze %dma_wait3A_52 : memref<1x640xf32, #tpu.memory_space<vmem_shared>> -> memref<640xf32, #tpu.memory_space<vmem_shared>>
        tpu.wait_dma2 semaphore(%run_scoped3A : memref<!tpu.dma_semaphore, #tpu.memory_space<semaphore_mem>>) src(%dma_wait3A_53 : memref<640xf32, #tpu.memory_space<vmem_shared>>) dst(%arg7 : memref<640xf32, #tpu.memory_space<vmem>>)
        tpu.yield
      }) : () -> ()
      %scan3A_42 = arith.constant 0 : i32
      %scan3A_43 = arith.constant 0 : i32
      %scan3A_44 = arith.constant 40 : i32
      %scan3A_45 = arith.addi %scan3A_43, %scan3A_44 : i32
      %scan3A_46 = arith.constant 1 : i32
      scf.for %scan3A_48 = %scan3A_43 to %scan3A_45 step %scan3A_46  : i32 {
        %mul3A_49 = arith.constant 16 : i32
        %mul3A_50 = arith.muli %scan3A_48, %mul3A_49 : i32
        %get3A_51 = arith.index_cast %mul3A_50 : i32 to index
        %get3A_52 = tpu.vector_load %arg8[%get3A_51] {strides = array<i32>} : memref<640xf32, #tpu.memory_space<vmem>>, vector<16xf32>,
        %get3A_53 = arith.index_cast %mul3A_50 : i32 to index
        %get3A_54 = tpu.vector_load %arg7[%get3A_53] {strides = array<i32>} : memref<640xf32, #tpu.memory_space<vmem>>, vector<16xf32>,
        %add3A_55 = arith.addf %get3A_52, %get3A_54 : vector<16xf32>
        %swap3A = arith.index_cast %mul3A_50 : i32 to index
        %swap3A_56 = tpu.vector_load %arg8[%swap3A] {strides = array<i32>} : memref<640xf32, #tpu.memory_space<vmem>>, vector<16xf32>,
        tpu.vector_store %arg8[%swap3A], %add3A_55 {strides = array<i32>} : memref<640xf32, #tpu.memory_space<vmem>>, vector<16xf32>,
      }
      %scan3A_47 = arith.constant 40 : i32
    }
    %scan3A_31 = arith.constant 16 : i32
    %eq3A = arith.constant 0 : i32
    %eq3A_32 = arith.cmpi eq, %arg0, %eq3A : i32
    %convert_element_type3A = arith.extui %eq3A_32 : i1 to i32
    %cond3A = arith.constant 0 : i32
    %cond3A_33 = arith.cmpi ne, %convert_element_type3A, %cond3A : i32
    scf.if %cond3A_33 {
      %mul3A_39 = arith.constant 640 : i32
      %mul3A_40 = arith.muli %arg1, %mul3A_39 : i32
      "tpu.region"() ({
        %run_scoped3A = tpu.sem_alloc : memref<!tpu.dma_semaphore, #tpu.memory_space<semaphore_mem>>
        %dma_start3A = tpu.memref_slice %arg3[%mul3A_40] : memref<10240xf32, #tpu.memory_space<hbm>> -> memref<640xf32, #tpu.memory_space<hbm>>
        %dma_start3A_41 = tpu.memref_slice %arg3[%mul3A_40] : memref<10240xf32, #tpu.memory_space<hbm>> -> memref<640xf32, #tpu.memory_space<hbm>>
        tpu.enqueue_dma source(%arg8 : memref<640xf32, #tpu.memory_space<vmem>>) target(%dma_start3A_41 : memref<640xf32, #tpu.memory_space<hbm>>) target_semaphore(%run_scoped3A : memref<!tpu.dma_semaphore, #tpu.memory_space<semaphore_mem>>)
        %dma_wait3A = tpu.memref_slice %arg3[%mul3A_40] : memref<10240xf32, #tpu.memory_space<hbm>> -> memref<640xf32, #tpu.memory_space<hbm>>
        %dma_wait3A_42 = tpu.memref_slice %arg3[%mul3A_40] : memref<10240xf32, #tpu.memory_space<hbm>> -> memref<640xf32, #tpu.memory_space<hbm>>
        tpu.wait_dma2 semaphore(%run_scoped3A : memref<!tpu.dma_semaphore, #tpu.memory_space<semaphore_mem>>) src(%arg8 : memref<640xf32, #tpu.memory_space<vmem>>) dst(%dma_wait3A_42 : memref<640xf32, #tpu.memory_space<hbm>>)
        tpu.yield
      }) : () -> ()
    } else {
    }
    %eq3A_34 = arith.constant 1 : i32
    %eq3A_35 = arith.cmpi eq, %arg0, %eq3A_34 : i32
    %convert_element_type3A_36 = arith.extui %eq3A_35 : i1 to i32
    %cond3A_37 = arith.constant 0 : i32
    %cond3A_38 = arith.cmpi ne, %convert_element_type3A_36, %cond3A_37 : i32
    scf.if %cond3A_38 {
      %mul3A_39 = arith.constant 640 : i32
      %mul3A_40 = arith.muli %arg1, %mul3A_39 : i32
      "tpu.region"() ({
        %run_scoped3A = tpu.sem_alloc : memref<!tpu.dma_semaphore, #tpu.memory_space<semaphore_mem>>
        %dma_start3A = tpu.memref_slice %arg4[%mul3A_40] : memref<10240xf32, #tpu.memory_space<hbm>> -> memref<640xf32, #tpu.memory_space<hbm>>
        %dma_start3A_41 = tpu.memref_slice %arg4[%mul3A_40] : memref<10240xf32, #tpu.memory_space<hbm>> -> memref<640xf32, #tpu.memory_space<hbm>>
        tpu.enqueue_dma source(%arg8 : memref<640xf32, #tpu.memory_space<vmem>>) target(%dma_start3A_41 : memref<640xf32, #tpu.memory_space<hbm>>) target_semaphore(%run_scoped3A : memref<!tpu.dma_semaphore, #tpu.memory_space<semaphore_mem>>)
        %dma_wait3A = tpu.memref_slice %arg4[%mul3A_40] : memref<10240xf32, #tpu.memory_space<hbm>> -> memref<640xf32, #tpu.memory_space<hbm>>
        %dma_wait3A_42 = tpu.memref_slice %arg4[%mul3A_40] : memref<10240xf32, #tpu.memory_space<hbm>> -> memref<640xf32, #tpu.memory_space<hbm>>
        tpu.wait_dma2 semaphore(%run_scoped3A : memref<!tpu.dma_semaphore, #tpu.memory_space<semaphore_mem>>) src(%arg8 : memref<640xf32, #tpu.memory_space<vmem>>) dst(%dma_wait3A_42 : memref<640xf32, #tpu.memory_space<hbm>>)
        tpu.yield
      }) : () -> ()
    } else {
    }
    return
  }
}

#map = affine_map<(d0, d1) -> (0, 0)>
#map1 = affine_map<(d0, d1) -> (0)>
module attributes {stable_mosaic.version = 14 : i64} {
  func.func @_seg_body(%arg0: i32, %arg1: i32, %arg2: memref<10000x128xf32, #tpu.memory_space<hbm>>, %arg3: memref<10000x128xf32, #tpu.memory_space<hbm>>, %arg4: memref<160000xi32, #tpu.memory_space<hbm>>, %arg5: memref<160000xi32, #tpu.memory_space<hbm>>, %arg6: memref<10240x128xf32, #tpu.memory_space<hbm>>, %arg7: memref<10240x128xf32, #tpu.memory_space<hbm>>, %arg8: memref<128xi32, #tpu.memory_space<vmem>>, %arg9: memref<128xi32, #tpu.memory_space<vmem>>, %arg10: memref<128x128xf32, #tpu.memory_space<vmem>>, %arg11: memref<16xi32, #tpu.memory_space<vmem>>, %arg12: memref<16xi32, #tpu.memory_space<vmem>>, %arg13: memref<16x128xf32, #tpu.memory_space<vmem>>, %arg14: memref<!tpu.dma_semaphore, #tpu.memory_space<semaphore_mem>>, %arg15: memref<10240x128xf32, #tpu.memory_space<vmem_shared>>) attributes {dimension_semantics = [#tpu.dimension_semantics<core_parallel>, #tpu.dimension_semantics<subcore_parallel>], iteration_bounds = array<i64: 2, 16>, scalar_prefetch = 0 : i64, scratch_operands = 8 : i64, tpu.core_type = #tpu.core_type<sc_vector_subcore>, window_params = [{transform_indices = #map}, {transform_indices = #map}, {transform_indices = #map1}, {transform_indices = #map1}, {transform_indices = #map}, {transform_indices = #map}]} {
    %scan3A = arith.constant 0 : i32
    %scan3A_0 = arith.constant 0 : i32
    %scan3A_1 = arith.constant 1024 : i32
    %scan3A_2 = arith.addi %scan3A_0, %scan3A_1 : i32
    %scan3A_3 = arith.constant 1 : i32
    scf.for %scan3A_19 = %scan3A_0 to %scan3A_2 step %scan3A_3  : i32 {
      %jit3A = arith.constant 8 : i32
      %div3A = arith.divsi %scan3A_19, %jit3A : i32
      %sign3A = arith.constant 0 : i32
      %sign3A_20 = arith.cmpi sgt, %scan3A_19, %sign3A : i32
      %sign3A_21 = arith.extui %sign3A_20 : i1 to i32
      %sign3A_22 = arith.constant 0 : i32
      %sign3A_23 = arith.cmpi slt, %scan3A_19, %sign3A_22 : i32
      %sign3A_24 = arith.extui %sign3A_23 : i1 to i32
      %sign3A_25 = arith.subi %sign3A_21, %sign3A_24 : i32
      %sign3A_26 = arith.constant 0 : i32
      %sign3A_27 = arith.cmpi sgt, %jit3A, %sign3A_26 : i32
      %sign3A_28 = arith.extui %sign3A_27 : i1 to i32
      %sign3A_29 = arith.constant 0 : i32
      %sign3A_30 = arith.cmpi slt, %jit3A, %sign3A_29 : i32
      %sign3A_31 = arith.extui %sign3A_30 : i1 to i32
      %sign3A_32 = arith.subi %sign3A_28, %sign3A_31 : i32
      %ne3A = arith.cmpi ne, %sign3A_25, %sign3A_32 : i32
      %rem3A = arith.remsi %scan3A_19, %jit3A : i32
      %ne3A_33 = arith.constant 0 : i32
      %ne3A_34 = arith.cmpi ne, %rem3A, %ne3A_33 : i32
      %and3A = arith.andi %ne3A, %ne3A_34 : i1
      %sub3A = arith.constant 1 : i32
      %sub3A_35 = arith.subi %div3A, %sub3A : i32
      %select_n3A = arith.select %and3A, %sub3A_35, %div3A : i32
      %jit3A_36 = arith.constant 8 : i32
      %eq3A_37 = arith.constant 0 : i32
      %eq3A_38 = arith.cmpi eq, %jit3A_36, %eq3A_37 : i32
      %jit3A_39 = arith.constant 1 : i32
      %select_n3A_40 = arith.select %eq3A_38, %jit3A_39, %jit3A_36 : i32
      %rem3A_41 = arith.remsi %scan3A_19, %select_n3A_40 : i32
      %ne3A_42 = arith.constant 0 : i32
      %ne3A_43 = arith.cmpi ne, %rem3A_41, %ne3A_42 : i32
      %lt3A = arith.constant 0 : i32
      %lt3A_44 = arith.cmpi slt, %rem3A_41, %lt3A : i32
      %lt3A_45 = arith.constant 0 : i32
      %lt3A_46 = arith.cmpi slt, %select_n3A_40, %lt3A_45 : i32
      %ne3A_47 = arith.xori %lt3A_44, %lt3A_46 : i1
      %and3A_48 = arith.andi %ne3A_47, %ne3A_43 : i1
      %add3A = arith.addi %rem3A_41, %select_n3A_40 : i32
      %select_n3A_49 = arith.select %and3A_48, %add3A, %rem3A_41 : i32
      %mul3A_50 = arith.constant 16 : i32
      %mul3A_51 = arith.muli %select_n3A_49, %mul3A_50 : i32
      %broadcast_in_dim3A = arith.constant 0.000000e+00 : f32
      %broadcast_in_dim3A_52 = vector.broadcast %broadcast_in_dim3A : f32 to vector<16xf32>
      %swap3A = arith.index_cast %select_n3A : i32 to index
      %swap3A_53 = arith.index_cast %mul3A_51 : i32 to index
      %swap3A_54 = tpu.vector_load %arg10[%swap3A, %swap3A_53] {strides = array<i32>} : memref<128x128xf32, #tpu.memory_space<vmem>>, vector<1x16xf32>,
      %swap3A_55 = vector.shape_cast %swap3A_54 : vector<1x16xf32> to vector<16xf32>
      %swap3A_56 = vector.shape_cast %broadcast_in_dim3A_52 : vector<16xf32> to vector<1x16xf32>
      tpu.vector_store %arg10[%swap3A, %swap3A_53], %swap3A_56 {strides = array<i32>} : memref<128x128xf32, #tpu.memory_space<vmem>>, vector<1x16xf32>,
    }
    %scan3A_4 = arith.constant 1024 : i32
    %scan3A_5 = arith.constant 0 : i32
    %scan3A_6 = arith.constant 0 : i32
    %scan3A_7 = arith.constant 5 : i32
    %scan3A_8 = arith.addi %scan3A_6, %scan3A_7 : i32
    %scan3A_9 = arith.constant 1 : i32
    scf.for %scan3A_19 = %scan3A_6 to %scan3A_8 step %scan3A_9  : i32 {
      %mul3A_20 = arith.constant 5 : i32
      %mul3A_21 = arith.muli %arg1, %mul3A_20 : i32
      %add3A = arith.addi %mul3A_21, %scan3A_19 : i32
      %mul3A_22 = arith.constant 128 : i32
      %mul3A_23 = arith.muli %add3A, %mul3A_22 : i32
      "tpu.region"() ({
        %run_scoped3A = tpu.sem_alloc : memref<!tpu.dma_semaphore, #tpu.memory_space<semaphore_mem>>
        %dma_start3A = arith.constant 0 : i32
        %dma_start3A_24 = tpu.memref_slice %arg15[%mul3A_23, %dma_start3A] : memref<10240x128xf32, #tpu.memory_space<vmem_shared>> -> memref<128x128xf32, #tpu.memory_space<vmem_shared>>
        %dma_start3A_25 = arith.constant 0 : i32
        %dma_start3A_26 = tpu.memref_slice %arg15[%mul3A_23, %dma_start3A_25] : memref<10240x128xf32, #tpu.memory_space<vmem_shared>> -> memref<128x128xf32, #tpu.memory_space<vmem_shared>>
        tpu.enqueue_dma source(%arg10 : memref<128x128xf32, #tpu.memory_space<vmem>>) target(%dma_start3A_26 : memref<128x128xf32, #tpu.memory_space<vmem_shared>>) target_semaphore(%run_scoped3A : memref<!tpu.dma_semaphore, #tpu.memory_space<semaphore_mem>>)
        %dma_wait3A = arith.constant 0 : i32
        %dma_wait3A_27 = tpu.memref_slice %arg15[%mul3A_23, %dma_wait3A] : memref<10240x128xf32, #tpu.memory_space<vmem_shared>> -> memref<128x128xf32, #tpu.memory_space<vmem_shared>>
        %dma_wait3A_28 = arith.constant 0 : i32
        %dma_wait3A_29 = tpu.memref_slice %arg15[%mul3A_23, %dma_wait3A_28] : memref<10240x128xf32, #tpu.memory_space<vmem_shared>> -> memref<128x128xf32, #tpu.memory_space<vmem_shared>>
        tpu.wait_dma2 semaphore(%run_scoped3A : memref<!tpu.dma_semaphore, #tpu.memory_space<semaphore_mem>>) src(%arg10 : memref<128x128xf32, #tpu.memory_space<vmem>>) dst(%dma_wait3A_29 : memref<128x128xf32, #tpu.memory_space<vmem_shared>>)
        tpu.yield
      }) : () -> ()
    }
    %scan3A_10 = arith.constant 5 : i32
    %barrier3A = arith.constant 0 : index
    tpu.barrier barrier_id(%barrier3A)
    %mul3A = arith.constant 10000 : i32
    %mul3A_11 = arith.muli %arg1, %mul3A : i32
    %eq3A = arith.constant 0 : i32
    %eq3A_12 = arith.cmpi eq, %arg0, %eq3A : i32
    %convert_element_type3A = arith.extui %eq3A_12 : i1 to i32
    %cond3A = arith.constant 0 : i32
    %cond3A_13 = arith.cmpi ne, %convert_element_type3A, %cond3A : i32
    scf.if %cond3A_13 {
      %scan3A_19 = arith.constant 0 : i32
      %scan3A_20 = arith.constant 0 : i32
      %scan3A_21 = arith.constant 78 : i32
      %scan3A_22 = arith.addi %scan3A_20, %scan3A_21 : i32
      %scan3A_23 = arith.constant 1 : i32
      scf.for %scan3A_35 = %scan3A_20 to %scan3A_22 step %scan3A_23  : i32 {
        %mul3A_36 = arith.constant 128 : i32
        %mul3A_37 = arith.muli %scan3A_35, %mul3A_36 : i32
        %add3A_38 = arith.addi %mul3A_11, %mul3A_37 : i32
        "tpu.region"() ({
          %run_scoped3A = tpu.sem_alloc : memref<!tpu.dma_semaphore, #tpu.memory_space<semaphore_mem>>
          %dma_start3A_45 = tpu.memref_slice %arg4[%add3A_38] : memref<160000xi32, #tpu.memory_space<hbm>> -> memref<128xi32, #tpu.memory_space<hbm>>
          %dma_start3A_46 = tpu.memref_slice %arg4[%add3A_38] : memref<160000xi32, #tpu.memory_space<hbm>> -> memref<128xi32, #tpu.memory_space<hbm>>
          tpu.enqueue_dma source(%dma_start3A_46 : memref<128xi32, #tpu.memory_space<hbm>>) target(%arg8 : memref<128xi32, #tpu.memory_space<vmem>>) target_semaphore(%run_scoped3A : memref<!tpu.dma_semaphore, #tpu.memory_space<semaphore_mem>>)
          %dma_wait3A_47 = tpu.memref_slice %arg4[%add3A_38] : memref<160000xi32, #tpu.memory_space<hbm>> -> memref<128xi32, #tpu.memory_space<hbm>>
          %dma_wait3A_48 = tpu.memref_slice %arg4[%add3A_38] : memref<160000xi32, #tpu.memory_space<hbm>> -> memref<128xi32, #tpu.memory_space<hbm>>
          tpu.wait_dma2 semaphore(%run_scoped3A : memref<!tpu.dma_semaphore, #tpu.memory_space<semaphore_mem>>) src(%dma_wait3A_48 : memref<128xi32, #tpu.memory_space<hbm>>) dst(%arg8 : memref<128xi32, #tpu.memory_space<vmem>>)
          tpu.yield
        }) : () -> ()
        %dma_start3A_39 = arith.constant 0 : i32
        %dma_start3A_40 = arith.constant 0 : i32
        %dma_start3A_41 = tpu.memref_slice %arg2[%dma_start3A_39, %dma_start3A_40] : memref<10000x128xf32, #tpu.memory_space<hbm>> -> memref<10000x128xf32, #tpu.memory_space<hbm>>
        tpu.enqueue_indirect_dma source(%dma_start3A_41 : memref<10000x128xf32, #tpu.memory_space<hbm>>) target(%arg10 : memref<128x128xf32, #tpu.memory_space<vmem>>) offsets(%arg8 : memref<128xi32, #tpu.memory_space<vmem>>) semaphore(%arg14 : memref<!tpu.dma_semaphore, #tpu.memory_space<semaphore_mem>>)
        %dma_wait3A_42 = arith.constant 0 : i32
        %dma_wait3A_43 = arith.constant 0 : i32
        %dma_wait3A_44 = tpu.memref_slice %arg2[%dma_wait3A_42, %dma_wait3A_43] : memref<10000x128xf32, #tpu.memory_space<hbm>> -> memref<10000x128xf32, #tpu.memory_space<hbm>>
        tpu.wait_indirect_dma semaphore(%arg14 : memref<!tpu.dma_semaphore, #tpu.memory_space<semaphore_mem>>) src(%dma_wait3A_44 : memref<10000x128xf32, #tpu.memory_space<hbm>>) dst(%arg10 : memref<128x128xf32, #tpu.memory_space<vmem>>)
        "tpu.region"() ({
          %run_scoped3A = tpu.sem_alloc : memref<!tpu.dma_semaphore, #tpu.memory_space<semaphore_mem>>
          %dma_start3A_45 = tpu.memref_slice %arg5[%add3A_38] : memref<160000xi32, #tpu.memory_space<hbm>> -> memref<128xi32, #tpu.memory_space<hbm>>
          %dma_start3A_46 = tpu.memref_slice %arg5[%add3A_38] : memref<160000xi32, #tpu.memory_space<hbm>> -> memref<128xi32, #tpu.memory_space<hbm>>
          tpu.enqueue_dma source(%dma_start3A_46 : memref<128xi32, #tpu.memory_space<hbm>>) target(%arg9 : memref<128xi32, #tpu.memory_space<vmem>>) target_semaphore(%run_scoped3A : memref<!tpu.dma_semaphore, #tpu.memory_space<semaphore_mem>>)
          %dma_wait3A_47 = tpu.memref_slice %arg5[%add3A_38] : memref<160000xi32, #tpu.memory_space<hbm>> -> memref<128xi32, #tpu.memory_space<hbm>>
          %dma_wait3A_48 = tpu.memref_slice %arg5[%add3A_38] : memref<160000xi32, #tpu.memory_space<hbm>> -> memref<128xi32, #tpu.memory_space<hbm>>
          tpu.wait_dma2 semaphore(%run_scoped3A : memref<!tpu.dma_semaphore, #tpu.memory_space<semaphore_mem>>) src(%dma_wait3A_48 : memref<128xi32, #tpu.memory_space<hbm>>) dst(%arg9 : memref<128xi32, #tpu.memory_space<vmem>>)
          tpu.yield
        }) : () -> ()
        "tpu.region"() ({
          %run_scoped3A = tpu.sem_alloc : memref<!tpu.dma_semaphore, #tpu.memory_space<semaphore_mem>>
          %dma_start3A_45 = arith.constant 0 : i32
          %dma_start3A_46 = arith.constant 0 : i32
          %dma_start3A_47 = tpu.memref_slice %arg15[%dma_start3A_45, %dma_start3A_46] : memref<10240x128xf32, #tpu.memory_space<vmem_shared>> -> memref<10240x128xf32, #tpu.memory_space<vmem_shared>>
          tpu.enqueue_indirect_dma source(%arg10 : memref<128x128xf32, #tpu.memory_space<vmem>>) target(%dma_start3A_47 : memref<10240x128xf32, #tpu.memory_space<vmem_shared>>) offsets(%arg9 : memref<128xi32, #tpu.memory_space<vmem>>) semaphore(%run_scoped3A : memref<!tpu.dma_semaphore, #tpu.memory_space<semaphore_mem>>) {add = true}
          %dma_wait3A_48 = arith.constant 0 : i32
          %dma_wait3A_49 = arith.constant 0 : i32
          %dma_wait3A_50 = tpu.memref_slice %arg15[%dma_wait3A_48, %dma_wait3A_49] : memref<10240x128xf32, #tpu.memory_space<vmem_shared>> -> memref<10240x128xf32, #tpu.memory_space<vmem_shared>>
          tpu.wait_indirect_dma semaphore(%run_scoped3A : memref<!tpu.dma_semaphore, #tpu.memory_space<semaphore_mem>>) src(%arg10 : memref<128x128xf32, #tpu.memory_space<vmem>>) dst(%dma_wait3A_50 : memref<10240x128xf32, #tpu.memory_space<vmem_shared>>)
          tpu.yield
        }) : () -> ()
      }
      %scan3A_24 = arith.constant 78 : i32
      %add3A = arith.constant 9984 : i32
      %add3A_25 = arith.addi %mul3A_11, %add3A : i32
      "tpu.region"() ({
        %run_scoped3A = tpu.sem_alloc : memref<!tpu.dma_semaphore, #tpu.memory_space<semaphore_mem>>
        %dma_start3A_35 = tpu.memref_slice %arg4[%add3A_25] : memref<160000xi32, #tpu.memory_space<hbm>> -> memref<16xi32, #tpu.memory_space<hbm>>
        %dma_start3A_36 = tpu.memref_slice %arg4[%add3A_25] : memref<160000xi32, #tpu.memory_space<hbm>> -> memref<16xi32, #tpu.memory_space<hbm>>
        tpu.enqueue_dma source(%dma_start3A_36 : memref<16xi32, #tpu.memory_space<hbm>>) target(%arg11 : memref<16xi32, #tpu.memory_space<vmem>>) target_semaphore(%run_scoped3A : memref<!tpu.dma_semaphore, #tpu.memory_space<semaphore_mem>>)
        %dma_wait3A_37 = tpu.memref_slice %arg4[%add3A_25] : memref<160000xi32, #tpu.memory_space<hbm>> -> memref<16xi32, #tpu.memory_space<hbm>>
        %dma_wait3A_38 = tpu.memref_slice %arg4[%add3A_25] : memref<160000xi32, #tpu.memory_space<hbm>> -> memref<16xi32, #tpu.memory_space<hbm>>
        tpu.wait_dma2 semaphore(%run_scoped3A : memref<!tpu.dma_semaphore, #tpu.memory_space<semaphore_mem>>) src(%dma_wait3A_38 : memref<16xi32, #tpu.memory_space<hbm>>) dst(%arg11 : memref<16xi32, #tpu.memory_space<vmem>>)
        tpu.yield
      }) : () -> ()
      %dma_start3A = arith.constant 0 : i32
      %dma_start3A_26 = arith.constant 0 : i32
      %dma_start3A_27 = tpu.memref_slice %arg2[%dma_start3A, %dma_start3A_26] : memref<10000x128xf32, #tpu.memory_space<hbm>> -> memref<10000x128xf32, #tpu.memory_space<hbm>>
      tpu.enqueue_indirect_dma source(%dma_start3A_27 : memref<10000x128xf32, #tpu.memory_space<hbm>>) target(%arg13 : memref<16x128xf32, #tpu.memory_space<vmem>>) offsets(%arg11 : memref<16xi32, #tpu.memory_space<vmem>>) semaphore(%arg14 : memref<!tpu.dma_semaphore, #tpu.memory_space<semaphore_mem>>)
      %dma_wait3A = arith.constant 0 : i32
      %dma_wait3A_28 = arith.constant 0 : i32
      %dma_wait3A_29 = tpu.memref_slice %arg2[%dma_wait3A, %dma_wait3A_28] : memref<10000x128xf32, #tpu.memory_space<hbm>> -> memref<10000x128xf32, #tpu.memory_space<hbm>>
      tpu.wait_indirect_dma semaphore(%arg14 : memref<!tpu.dma_semaphore, #tpu.memory_space<semaphore_mem>>) src(%dma_wait3A_29 : memref<10000x128xf32, #tpu.memory_space<hbm>>) dst(%arg13 : memref<16x128xf32, #tpu.memory_space<vmem>>)
      "tpu.region"() ({
        %run_scoped3A = tpu.sem_alloc : memref<!tpu.dma_semaphore, #tpu.memory_space<semaphore_mem>>
        %dma_start3A_35 = tpu.memref_slice %arg5[%add3A_25] : memref<160000xi32, #tpu.memory_space<hbm>> -> memref<16xi32, #tpu.memory_space<hbm>>
        %dma_start3A_36 = tpu.memref_slice %arg5[%add3A_25] : memref<160000xi32, #tpu.memory_space<hbm>> -> memref<16xi32, #tpu.memory_space<hbm>>
        tpu.enqueue_dma source(%dma_start3A_36 : memref<16xi32, #tpu.memory_space<hbm>>) target(%arg12 : memref<16xi32, #tpu.memory_space<vmem>>) target_semaphore(%run_scoped3A : memref<!tpu.dma_semaphore, #tpu.memory_space<semaphore_mem>>)
        %dma_wait3A_37 = tpu.memref_slice %arg5[%add3A_25] : memref<160000xi32, #tpu.memory_space<hbm>> -> memref<16xi32, #tpu.memory_space<hbm>>
        %dma_wait3A_38 = tpu.memref_slice %arg5[%add3A_25] : memref<160000xi32, #tpu.memory_space<hbm>> -> memref<16xi32, #tpu.memory_space<hbm>>
        tpu.wait_dma2 semaphore(%run_scoped3A : memref<!tpu.dma_semaphore, #tpu.memory_space<semaphore_mem>>) src(%dma_wait3A_38 : memref<16xi32, #tpu.memory_space<hbm>>) dst(%arg12 : memref<16xi32, #tpu.memory_space<vmem>>)
        tpu.yield
      }) : () -> ()
      "tpu.region"() ({
        %run_scoped3A = tpu.sem_alloc : memref<!tpu.dma_semaphore, #tpu.memory_space<semaphore_mem>>
        %dma_start3A_35 = arith.constant 0 : i32
        %dma_start3A_36 = arith.constant 0 : i32
        %dma_start3A_37 = tpu.memref_slice %arg15[%dma_start3A_35, %dma_start3A_36] : memref<10240x128xf32, #tpu.memory_space<vmem_shared>> -> memref<10240x128xf32, #tpu.memory_space<vmem_shared>>
        tpu.enqueue_indirect_dma source(%arg13 : memref<16x128xf32, #tpu.memory_space<vmem>>) target(%dma_start3A_37 : memref<10240x128xf32, #tpu.memory_space<vmem_shared>>) offsets(%arg12 : memref<16xi32, #tpu.memory_space<vmem>>) semaphore(%run_scoped3A : memref<!tpu.dma_semaphore, #tpu.memory_space<semaphore_mem>>) {add = true}
        %dma_wait3A_38 = arith.constant 0 : i32
        %dma_wait3A_39 = arith.constant 0 : i32
        %dma_wait3A_40 = tpu.memref_slice %arg15[%dma_wait3A_38, %dma_wait3A_39] : memref<10240x128xf32, #tpu.memory_space<vmem_shared>> -> memref<10240x128xf32, #tpu.memory_space<vmem_shared>>
        tpu.wait_indirect_dma semaphore(%run_scoped3A : memref<!tpu.dma_semaphore, #tpu.memory_space<semaphore_mem>>) src(%arg13 : memref<16x128xf32, #tpu.memory_space<vmem>>) dst(%dma_wait3A_40 : memref<10240x128xf32, #tpu.memory_space<vmem_shared>>)
        tpu.yield
      }) : () -> ()
      %barrier3A_30 = arith.constant 0 : index
      tpu.barrier barrier_id(%barrier3A_30)
      %mul3A_31 = arith.constant 640 : i32
      %mul3A_32 = arith.muli %arg1, %mul3A_31 : i32
      %mul3A_33 = arith.constant 640 : i32
      %mul3A_34 = arith.muli %arg1, %mul3A_33 : i32
      "tpu.region"() ({
        %run_scoped3A = tpu.sem_alloc : memref<!tpu.dma_semaphore, #tpu.memory_space<semaphore_mem>>
        %dma_start3A_35 = arith.constant 0 : i32
        %dma_start3A_36 = tpu.memref_slice %arg6[%mul3A_34, %dma_start3A_35] : memref<10240x128xf32, #tpu.memory_space<hbm>> -> memref<640x128xf32, #tpu.memory_space<hbm>>
        %dma_start3A_37 = arith.constant 0 : i32
        %dma_start3A_38 = tpu.memref_slice %arg15[%mul3A_32, %dma_start3A_37] : memref<10240x128xf32, #tpu.memory_space<vmem_shared>> -> memref<640x128xf32, #tpu.memory_space<vmem_shared>>
        tpu.enqueue_dma source(%dma_start3A_38 : memref<640x128xf32, #tpu.memory_space<vmem_shared>>) target(%dma_start3A_36 : memref<640x128xf32, #tpu.memory_space<hbm>>) target_semaphore(%run_scoped3A : memref<!tpu.dma_semaphore, #tpu.memory_space<semaphore_mem>>)
        %dma_wait3A_39 = arith.constant 0 : i32
        %dma_wait3A_40 = tpu.memref_slice %arg6[%mul3A_34, %dma_wait3A_39] : memref<10240x128xf32, #tpu.memory_space<hbm>> -> memref<640x128xf32, #tpu.memory_space<hbm>>
        %dma_wait3A_41 = arith.constant 0 : i32
        %dma_wait3A_42 = tpu.memref_slice %arg15[%mul3A_32, %dma_wait3A_41] : memref<10240x128xf32, #tpu.memory_space<vmem_shared>> -> memref<640x128xf32, #tpu.memory_space<vmem_shared>>
        tpu.wait_dma2 semaphore(%run_scoped3A : memref<!tpu.dma_semaphore, #tpu.memory_space<semaphore_mem>>) src(%dma_wait3A_42 : memref<640x128xf32, #tpu.memory_space<vmem_shared>>) dst(%dma_wait3A_40 : memref<640x128xf32, #tpu.memory_space<hbm>>)
        tpu.yield
      }) : () -> ()
    } else {
    }
    %eq3A_14 = arith.constant 1 : i32
    %eq3A_15 = arith.cmpi eq, %arg0, %eq3A_14 : i32
    %convert_element_type3A_16 = arith.extui %eq3A_15 : i1 to i32
    %cond3A_17 = arith.constant 0 : i32
    %cond3A_18 = arith.cmpi ne, %convert_element_type3A_16, %cond3A_17 : i32
    scf.if %cond3A_18 {
      %scan3A_19 = arith.constant 0 : i32
      %scan3A_20 = arith.constant 0 : i32
      %scan3A_21 = arith.constant 78 : i32
      %scan3A_22 = arith.addi %scan3A_20, %scan3A_21 : i32
      %scan3A_23 = arith.constant 1 : i32
      scf.for %scan3A_35 = %scan3A_20 to %scan3A_22 step %scan3A_23  : i32 {
        %mul3A_36 = arith.constant 128 : i32
        %mul3A_37 = arith.muli %scan3A_35, %mul3A_36 : i32
        %add3A_38 = arith.addi %mul3A_11, %mul3A_37 : i32
        "tpu.region"() ({
          %run_scoped3A = tpu.sem_alloc : memref<!tpu.dma_semaphore, #tpu.memory_space<semaphore_mem>>
          %dma_start3A_45 = tpu.memref_slice %arg4[%add3A_38] : memref<160000xi32, #tpu.memory_space<hbm>> -> memref<128xi32, #tpu.memory_space<hbm>>
          %dma_start3A_46 = tpu.memref_slice %arg4[%add3A_38] : memref<160000xi32, #tpu.memory_space<hbm>> -> memref<128xi32, #tpu.memory_space<hbm>>
          tpu.enqueue_dma source(%dma_start3A_46 : memref<128xi32, #tpu.memory_space<hbm>>) target(%arg8 : memref<128xi32, #tpu.memory_space<vmem>>) target_semaphore(%run_scoped3A : memref<!tpu.dma_semaphore, #tpu.memory_space<semaphore_mem>>)
          %dma_wait3A_47 = tpu.memref_slice %arg4[%add3A_38] : memref<160000xi32, #tpu.memory_space<hbm>> -> memref<128xi32, #tpu.memory_space<hbm>>
          %dma_wait3A_48 = tpu.memref_slice %arg4[%add3A_38] : memref<160000xi32, #tpu.memory_space<hbm>> -> memref<128xi32, #tpu.memory_space<hbm>>
          tpu.wait_dma2 semaphore(%run_scoped3A : memref<!tpu.dma_semaphore, #tpu.memory_space<semaphore_mem>>) src(%dma_wait3A_48 : memref<128xi32, #tpu.memory_space<hbm>>) dst(%arg8 : memref<128xi32, #tpu.memory_space<vmem>>)
          tpu.yield
        }) : () -> ()
        %dma_start3A_39 = arith.constant 0 : i32
        %dma_start3A_40 = arith.constant 0 : i32
        %dma_start3A_41 = tpu.memref_slice %arg3[%dma_start3A_39, %dma_start3A_40] : memref<10000x128xf32, #tpu.memory_space<hbm>> -> memref<10000x128xf32, #tpu.memory_space<hbm>>
        tpu.enqueue_indirect_dma source(%dma_start3A_41 : memref<10000x128xf32, #tpu.memory_space<hbm>>) target(%arg10 : memref<128x128xf32, #tpu.memory_space<vmem>>) offsets(%arg8 : memref<128xi32, #tpu.memory_space<vmem>>) semaphore(%arg14 : memref<!tpu.dma_semaphore, #tpu.memory_space<semaphore_mem>>)
        %dma_wait3A_42 = arith.constant 0 : i32
        %dma_wait3A_43 = arith.constant 0 : i32
        %dma_wait3A_44 = tpu.memref_slice %arg3[%dma_wait3A_42, %dma_wait3A_43] : memref<10000x128xf32, #tpu.memory_space<hbm>> -> memref<10000x128xf32, #tpu.memory_space<hbm>>
        tpu.wait_indirect_dma semaphore(%arg14 : memref<!tpu.dma_semaphore, #tpu.memory_space<semaphore_mem>>) src(%dma_wait3A_44 : memref<10000x128xf32, #tpu.memory_space<hbm>>) dst(%arg10 : memref<128x128xf32, #tpu.memory_space<vmem>>)
        "tpu.region"() ({
          %run_scoped3A = tpu.sem_alloc : memref<!tpu.dma_semaphore, #tpu.memory_space<semaphore_mem>>
          %dma_start3A_45 = tpu.memref_slice %arg5[%add3A_38] : memref<160000xi32, #tpu.memory_space<hbm>> -> memref<128xi32, #tpu.memory_space<hbm>>
          %dma_start3A_46 = tpu.memref_slice %arg5[%add3A_38] : memref<160000xi32, #tpu.memory_space<hbm>> -> memref<128xi32, #tpu.memory_space<hbm>>
          tpu.enqueue_dma source(%dma_start3A_46 : memref<128xi32, #tpu.memory_space<hbm>>) target(%arg9 : memref<128xi32, #tpu.memory_space<vmem>>) target_semaphore(%run_scoped3A : memref<!tpu.dma_semaphore, #tpu.memory_space<semaphore_mem>>)
          %dma_wait3A_47 = tpu.memref_slice %arg5[%add3A_38] : memref<160000xi32, #tpu.memory_space<hbm>> -> memref<128xi32, #tpu.memory_space<hbm>>
          %dma_wait3A_48 = tpu.memref_slice %arg5[%add3A_38] : memref<160000xi32, #tpu.memory_space<hbm>> -> memref<128xi32, #tpu.memory_space<hbm>>
          tpu.wait_dma2 semaphore(%run_scoped3A : memref<!tpu.dma_semaphore, #tpu.memory_space<semaphore_mem>>) src(%dma_wait3A_48 : memref<128xi32, #tpu.memory_space<hbm>>) dst(%arg9 : memref<128xi32, #tpu.memory_space<vmem>>)
          tpu.yield
        }) : () -> ()
        "tpu.region"() ({
          %run_scoped3A = tpu.sem_alloc : memref<!tpu.dma_semaphore, #tpu.memory_space<semaphore_mem>>
          %dma_start3A_45 = arith.constant 0 : i32
          %dma_start3A_46 = arith.constant 0 : i32
          %dma_start3A_47 = tpu.memref_slice %arg15[%dma_start3A_45, %dma_start3A_46] : memref<10240x128xf32, #tpu.memory_space<vmem_shared>> -> memref<10240x128xf32, #tpu.memory_space<vmem_shared>>
          tpu.enqueue_indirect_dma source(%arg10 : memref<128x128xf32, #tpu.memory_space<vmem>>) target(%dma_start3A_47 : memref<10240x128xf32, #tpu.memory_space<vmem_shared>>) offsets(%arg9 : memref<128xi32, #tpu.memory_space<vmem>>) semaphore(%run_scoped3A : memref<!tpu.dma_semaphore, #tpu.memory_space<semaphore_mem>>) {add = true}
          %dma_wait3A_48 = arith.constant 0 : i32
          %dma_wait3A_49 = arith.constant 0 : i32
          %dma_wait3A_50 = tpu.memref_slice %arg15[%dma_wait3A_48, %dma_wait3A_49] : memref<10240x128xf32, #tpu.memory_space<vmem_shared>> -> memref<10240x128xf32, #tpu.memory_space<vmem_shared>>
          tpu.wait_indirect_dma semaphore(%run_scoped3A : memref<!tpu.dma_semaphore, #tpu.memory_space<semaphore_mem>>) src(%arg10 : memref<128x128xf32, #tpu.memory_space<vmem>>) dst(%dma_wait3A_50 : memref<10240x128xf32, #tpu.memory_space<vmem_shared>>)
          tpu.yield
        }) : () -> ()
      }
      %scan3A_24 = arith.constant 78 : i32
      %add3A = arith.constant 9984 : i32
      %add3A_25 = arith.addi %mul3A_11, %add3A : i32
      "tpu.region"() ({
        %run_scoped3A = tpu.sem_alloc : memref<!tpu.dma_semaphore, #tpu.memory_space<semaphore_mem>>
        %dma_start3A_35 = tpu.memref_slice %arg4[%add3A_25] : memref<160000xi32, #tpu.memory_space<hbm>> -> memref<16xi32, #tpu.memory_space<hbm>>
        %dma_start3A_36 = tpu.memref_slice %arg4[%add3A_25] : memref<160000xi32, #tpu.memory_space<hbm>> -> memref<16xi32, #tpu.memory_space<hbm>>
        tpu.enqueue_dma source(%dma_start3A_36 : memref<16xi32, #tpu.memory_space<hbm>>) target(%arg11 : memref<16xi32, #tpu.memory_space<vmem>>) target_semaphore(%run_scoped3A : memref<!tpu.dma_semaphore, #tpu.memory_space<semaphore_mem>>)
        %dma_wait3A_37 = tpu.memref_slice %arg4[%add3A_25] : memref<160000xi32, #tpu.memory_space<hbm>> -> memref<16xi32, #tpu.memory_space<hbm>>
        %dma_wait3A_38 = tpu.memref_slice %arg4[%add3A_25] : memref<160000xi32, #tpu.memory_space<hbm>> -> memref<16xi32, #tpu.memory_space<hbm>>
        tpu.wait_dma2 semaphore(%run_scoped3A : memref<!tpu.dma_semaphore, #tpu.memory_space<semaphore_mem>>) src(%dma_wait3A_38 : memref<16xi32, #tpu.memory_space<hbm>>) dst(%arg11 : memref<16xi32, #tpu.memory_space<vmem>>)
        tpu.yield
      }) : () -> ()
      %dma_start3A = arith.constant 0 : i32
      %dma_start3A_26 = arith.constant 0 : i32
      %dma_start3A_27 = tpu.memref_slice %arg3[%dma_start3A, %dma_start3A_26] : memref<10000x128xf32, #tpu.memory_space<hbm>> -> memref<10000x128xf32, #tpu.memory_space<hbm>>
      tpu.enqueue_indirect_dma source(%dma_start3A_27 : memref<10000x128xf32, #tpu.memory_space<hbm>>) target(%arg13 : memref<16x128xf32, #tpu.memory_space<vmem>>) offsets(%arg11 : memref<16xi32, #tpu.memory_space<vmem>>) semaphore(%arg14 : memref<!tpu.dma_semaphore, #tpu.memory_space<semaphore_mem>>)
      %dma_wait3A = arith.constant 0 : i32
      %dma_wait3A_28 = arith.constant 0 : i32
      %dma_wait3A_29 = tpu.memref_slice %arg3[%dma_wait3A, %dma_wait3A_28] : memref<10000x128xf32, #tpu.memory_space<hbm>> -> memref<10000x128xf32, #tpu.memory_space<hbm>>
      tpu.wait_indirect_dma semaphore(%arg14 : memref<!tpu.dma_semaphore, #tpu.memory_space<semaphore_mem>>) src(%dma_wait3A_29 : memref<10000x128xf32, #tpu.memory_space<hbm>>) dst(%arg13 : memref<16x128xf32, #tpu.memory_space<vmem>>)
      "tpu.region"() ({
        %run_scoped3A = tpu.sem_alloc : memref<!tpu.dma_semaphore, #tpu.memory_space<semaphore_mem>>
        %dma_start3A_35 = tpu.memref_slice %arg5[%add3A_25] : memref<160000xi32, #tpu.memory_space<hbm>> -> memref<16xi32, #tpu.memory_space<hbm>>
        %dma_start3A_36 = tpu.memref_slice %arg5[%add3A_25] : memref<160000xi32, #tpu.memory_space<hbm>> -> memref<16xi32, #tpu.memory_space<hbm>>
        tpu.enqueue_dma source(%dma_start3A_36 : memref<16xi32, #tpu.memory_space<hbm>>) target(%arg12 : memref<16xi32, #tpu.memory_space<vmem>>) target_semaphore(%run_scoped3A : memref<!tpu.dma_semaphore, #tpu.memory_space<semaphore_mem>>)
        %dma_wait3A_37 = tpu.memref_slice %arg5[%add3A_25] : memref<160000xi32, #tpu.memory_space<hbm>> -> memref<16xi32, #tpu.memory_space<hbm>>
        %dma_wait3A_38 = tpu.memref_slice %arg5[%add3A_25] : memref<160000xi32, #tpu.memory_space<hbm>> -> memref<16xi32, #tpu.memory_space<hbm>>
        tpu.wait_dma2 semaphore(%run_scoped3A : memref<!tpu.dma_semaphore, #tpu.memory_space<semaphore_mem>>) src(%dma_wait3A_38 : memref<16xi32, #tpu.memory_space<hbm>>) dst(%arg12 : memref<16xi32, #tpu.memory_space<vmem>>)
        tpu.yield
      }) : () -> ()
      "tpu.region"() ({
        %run_scoped3A = tpu.sem_alloc : memref<!tpu.dma_semaphore, #tpu.memory_space<semaphore_mem>>
        %dma_start3A_35 = arith.constant 0 : i32
        %dma_start3A_36 = arith.constant 0 : i32
        %dma_start3A_37 = tpu.memref_slice %arg15[%dma_start3A_35, %dma_start3A_36] : memref<10240x128xf32, #tpu.memory_space<vmem_shared>> -> memref<10240x128xf32, #tpu.memory_space<vmem_shared>>
        tpu.enqueue_indirect_dma source(%arg13 : memref<16x128xf32, #tpu.memory_space<vmem>>) target(%dma_start3A_37 : memref<10240x128xf32, #tpu.memory_space<vmem_shared>>) offsets(%arg12 : memref<16xi32, #tpu.memory_space<vmem>>) semaphore(%run_scoped3A : memref<!tpu.dma_semaphore, #tpu.memory_space<semaphore_mem>>) {add = true}
        %dma_wait3A_38 = arith.constant 0 : i32
        %dma_wait3A_39 = arith.constant 0 : i32
        %dma_wait3A_40 = tpu.memref_slice %arg15[%dma_wait3A_38, %dma_wait3A_39] : memref<10240x128xf32, #tpu.memory_space<vmem_shared>> -> memref<10240x128xf32, #tpu.memory_space<vmem_shared>>
        tpu.wait_indirect_dma semaphore(%run_scoped3A : memref<!tpu.dma_semaphore, #tpu.memory_space<semaphore_mem>>) src(%arg13 : memref<16x128xf32, #tpu.memory_space<vmem>>) dst(%dma_wait3A_40 : memref<10240x128xf32, #tpu.memory_space<vmem_shared>>)
        tpu.yield
      }) : () -> ()
      %barrier3A_30 = arith.constant 0 : index
      tpu.barrier barrier_id(%barrier3A_30)
      %mul3A_31 = arith.constant 640 : i32
      %mul3A_32 = arith.muli %arg1, %mul3A_31 : i32
      %mul3A_33 = arith.constant 640 : i32
      %mul3A_34 = arith.muli %arg1, %mul3A_33 : i32
      "tpu.region"() ({
        %run_scoped3A = tpu.sem_alloc : memref<!tpu.dma_semaphore, #tpu.memory_space<semaphore_mem>>
        %dma_start3A_35 = arith.constant 0 : i32
        %dma_start3A_36 = tpu.memref_slice %arg7[%mul3A_34, %dma_start3A_35] : memref<10240x128xf32, #tpu.memory_space<hbm>> -> memref<640x128xf32, #tpu.memory_space<hbm>>
        %dma_start3A_37 = arith.constant 0 : i32
        %dma_start3A_38 = tpu.memref_slice %arg15[%mul3A_32, %dma_start3A_37] : memref<10240x128xf32, #tpu.memory_space<vmem_shared>> -> memref<640x128xf32, #tpu.memory_space<vmem_shared>>
        tpu.enqueue_dma source(%dma_start3A_38 : memref<640x128xf32, #tpu.memory_space<vmem_shared>>) target(%dma_start3A_36 : memref<640x128xf32, #tpu.memory_space<hbm>>) target_semaphore(%run_scoped3A : memref<!tpu.dma_semaphore, #tpu.memory_space<semaphore_mem>>)
        %dma_wait3A_39 = arith.constant 0 : i32
        %dma_wait3A_40 = tpu.memref_slice %arg7[%mul3A_34, %dma_wait3A_39] : memref<10240x128xf32, #tpu.memory_space<hbm>> -> memref<640x128xf32, #tpu.memory_space<hbm>>
        %dma_wait3A_41 = arith.constant 0 : i32
        %dma_wait3A_42 = tpu.memref_slice %arg15[%mul3A_32, %dma_wait3A_41] : memref<10240x128xf32, #tpu.memory_space<vmem_shared>> -> memref<640x128xf32, #tpu.memory_space<vmem_shared>>
        tpu.wait_dma2 semaphore(%run_scoped3A : memref<!tpu.dma_semaphore, #tpu.memory_space<semaphore_mem>>) src(%dma_wait3A_42 : memref<640x128xf32, #tpu.memory_space<vmem_shared>>) dst(%dma_wait3A_40 : memref<640x128xf32, #tpu.memory_space<hbm>>)
        tpu.yield
      }) : () -> ()
    } else {
    }
    return
  }
}

module attributes {stable_mosaic.version = 14 : i64} {
  func.func @_scale_mm_body(%arg0: i32, %arg1: memref<1000x256xf32, #tpu.memory_space<vmem>>, %arg2: memref<256x256xf32, #tpu.memory_space<vmem>>, %arg3: memref<1000x1xf32, #tpu.memory_space<vmem>>, %arg4: memref<1000x128xf32, #tpu.memory_space<vmem>>, %arg5: memref<1000x128xf32, #tpu.memory_space<vmem>>, %arg6: memref<1000x1xf32, #tpu.memory_space<vmem>>) attributes {dimension_semantics = [#tpu.dimension_semantics<arbitrary>], iteration_bounds = array<i64: 10>, scalar_prefetch = 0 : i64, scratch_operands = 0 : i64, tpu.core_type = #tpu.core_type<tc>, window_params = [{transform_indices = @transform_0, window_bounds = array<i64: 1000, 256>}, {pipeline_mode = #tpu.pipeline_mode<synchronous>, transform_indices = @transform_1, window_bounds = array<i64: 256, 256>}, {transform_indices = @transform_2, window_bounds = array<i64: 1000, 1>}, {transform_indices = @transform_3, window_bounds = array<i64: 1000, 128>}, {transform_indices = @transform_4, window_bounds = array<i64: 1000, 128>}, {transform_indices = @transform_5, window_bounds = array<i64: 1000, 1>}]} {
    %get3A = arith.constant 0 : index
    %get3A_0 = arith.constant 0 : index
    %get3A_1 = vector.load %arg3[%get3A, %get3A_0] : memref<1000x1xf32, #tpu.memory_space<vmem>>, vector<1000x1xf32>
    %add3A = arith.constant 1.000000e+00 : f32
    %add3A_2 = vector.broadcast %add3A : f32 to vector<1000x1xf32>
    %add3A_3 = arith.addf %get3A_1, %add3A_2 : vector<1000x1xf32>
    %rsqrt3A = math.rsqrt %add3A_3 : vector<1000x1xf32>
    %get3A_4 = arith.constant 0 : index
    %get3A_5 = arith.constant 0 : index
    %get3A_6 = vector.load %arg1[%get3A_4, %get3A_5] : memref<1000x256xf32, #tpu.memory_space<vmem>>, vector<1000x256xf32>
    %get3A_7 = arith.constant 0 : index
    %get3A_8 = arith.constant 0 : index
    %get3A_9 = vector.load %arg2[%get3A_7, %get3A_8] : memref<256x256xf32, #tpu.memory_space<vmem>>, vector<256x256xf32>
    %dot_general3A = arith.constant dense<0.000000e+00> : vector<1000x256xf32>
    %dot_general3A_10 = tpu.matmul %get3A_6, %get3A_9, %dot_general3A {dimension_numbers = #tpu.dot_dimension_numbers<[1], [0], [0], [1], [0, 0, 1, 1], [], []>, transpose_lhs_hint = false} : vector<1000x256xf32>, vector<256x256xf32>, vector<1000x256xf32> -> vector<1000x256xf32>
    %mul3A = vector.broadcast %rsqrt3A : vector<1000x1xf32> to vector<1000x256xf32>
    %mul3A_11 = arith.mulf %dot_general3A_10, %mul3A : vector<1000x256xf32>
    %slice3A = vector.extract_strided_slice %mul3A_11 {offsets = [0, 0], sizes = [1000, 128], strides = [1, 1]} : vector<1000x256xf32> to vector<1000x128xf32>
    %swap3A = arith.constant 0 : index
    %swap3A_12 = arith.constant 0 : index
    %swap3A_13 = vector.load %arg4[%swap3A, %swap3A_12] : memref<1000x128xf32, #tpu.memory_space<vmem>>, vector<1000x128xf32>
    tpu.vector_store %arg4[%swap3A, %swap3A_12], %slice3A {strides = array<i32>} : memref<1000x128xf32, #tpu.memory_space<vmem>>, vector<1000x128xf32>,
    %slice3A_14 = vector.extract_strided_slice %mul3A_11 {offsets = [0, 128], sizes = [1000, 128], strides = [1, 1]} : vector<1000x256xf32> to vector<1000x128xf32>
    %swap3A_15 = arith.constant 0 : index
    %swap3A_16 = arith.constant 0 : index
    %swap3A_17 = vector.load %arg5[%swap3A_15, %swap3A_16] : memref<1000x128xf32, #tpu.memory_space<vmem>>, vector<1000x128xf32>
    tpu.vector_store %arg5[%swap3A_15, %swap3A_16], %slice3A_14 {strides = array<i32>} : memref<1000x128xf32, #tpu.memory_space<vmem>>, vector<1000x128xf32>,
    %swap3A_18 = arith.constant 0 : index
    %swap3A_19 = arith.constant 0 : index
    %swap3A_20 = vector.load %arg6[%swap3A_18, %swap3A_19] : memref<1000x1xf32, #tpu.memory_space<vmem>>, vector<1000x1xf32>
    tpu.vector_store %arg6[%swap3A_18, %swap3A_19], %rsqrt3A {strides = array<i32>} : memref<1000x1xf32, #tpu.memory_space<vmem>>, vector<1000x1xf32>,
    return
  }
  func.func @transform_0(%arg0: i32) -> (i32, i32) {
    %c0_i32 = arith.constant 0 : i32
    %c0_i32_0 = arith.constant 0 : i32
    return %arg0, %c0_i32 : i32, i32
  }
  func.func @transform_1(%arg0: i32) -> (i32, i32) {
    %c0_i32 = arith.constant 0 : i32
    %c0_i32_0 = arith.constant 0 : i32
    %c0_i32_1 = arith.constant 0 : i32
    return %c0_i32, %c0_i32_0 : i32, i32
  }
  func.func @transform_2(%arg0: i32) -> (i32, i32) {
    %c0_i32 = arith.constant 0 : i32
    %c0_i32_0 = arith.constant 0 : i32
    return %arg0, %c0_i32 : i32, i32
  }
  func.func @transform_3(%arg0: i32) -> (i32, i32) {
    %c0_i32 = arith.constant 0 : i32
    %c0_i32_0 = arith.constant 0 : i32
    return %arg0, %c0_i32 : i32, i32
  }
  func.func @transform_4(%arg0: i32) -> (i32, i32) {
    %c0_i32 = arith.constant 0 : i32
    %c0_i32_0 = arith.constant 0 : i32
    return %arg0, %c0_i32 : i32, i32
  }
  func.func @transform_5(%arg0: i32) -> (i32, i32) {
    %c0_i32 = arith.constant 0 : i32
    %c0_i32_0 = arith.constant 0 : i32
    return %arg0, %c0_i32 : i32, i32
  }
}

module attributes {stable_mosaic.version = 14 : i64} {
  func.func @_mlp_body(%arg0: i32, %arg1: memref<1000x256xf32, #tpu.memory_space<vmem>>, %arg2: memref<1000x128xf32, #tpu.memory_space<vmem>>, %arg3: memref<1000x128xf32, #tpu.memory_space<vmem>>, %arg4: memref<1000x128xf32, #tpu.memory_space<vmem>>, %arg5: memref<1000x128xf32, #tpu.memory_space<vmem>>, %arg6: memref<1000x1xf32, #tpu.memory_space<vmem>>, %arg7: memref<1x256xf32, #tpu.memory_space<vmem>>, %arg8: memref<256x128xf32, #tpu.memory_space<vmem>>, %arg9: memref<1x128xf32, #tpu.memory_space<vmem>>, %arg10: memref<128x128xf32, #tpu.memory_space<vmem>>, %arg11: memref<1x128xf32, #tpu.memory_space<vmem>>, %arg12: memref<128x1xf32, #tpu.memory_space<vmem>>, %arg13: memref<1x1xf32, #tpu.memory_space<vmem>>, %arg14: memref<1000x1xf32, #tpu.memory_space<vmem>>) attributes {dimension_semantics = [#tpu.dimension_semantics<arbitrary>], iteration_bounds = array<i64: 10>, scalar_prefetch = 0 : i64, scratch_operands = 0 : i64, tpu.core_type = #tpu.core_type<tc>, window_params = [{transform_indices = @transform_0, window_bounds = array<i64: 1000, 256>}, {transform_indices = @transform_1, window_bounds = array<i64: 1000, 128>}, {transform_indices = @transform_2, window_bounds = array<i64: 1000, 128>}, {transform_indices = @transform_3, window_bounds = array<i64: 1000, 128>}, {transform_indices = @transform_4, window_bounds = array<i64: 1000, 128>}, {transform_indices = @transform_5, window_bounds = array<i64: 1000, 1>}, {pipeline_mode = #tpu.pipeline_mode<synchronous>, transform_indices = @transform_6, window_bounds = array<i64: 1, 256>}, {pipeline_mode = #tpu.pipeline_mode<synchronous>, transform_indices = @transform_7, window_bounds = array<i64: 256, 128>}, {pipeline_mode = #tpu.pipeline_mode<synchronous>, transform_indices = @transform_8, window_bounds = array<i64: 1, 128>}, {pipeline_mode = #tpu.pipeline_mode<synchronous>, transform_indices = @transform_9, window_bounds = array<i64: 128, 128>}, {pipeline_mode = #tpu.pipeline_mode<synchronous>, transform_indices = @transform_10, window_bounds = array<i64: 1, 128>}, {pipeline_mode = #tpu.pipeline_mode<synchronous>, transform_indices = @transform_11, window_bounds = array<i64: 128, 1>}, {pipeline_mode = #tpu.pipeline_mode<synchronous>, transform_indices = @transform_12, window_bounds = array<i64: 1, 1>}, {transform_indices = @transform_13, window_bounds = array<i64: 1000, 1>}]} {
    %get3A = arith.constant 0 : index
    %get3A_0 = arith.constant 0 : index
    %get3A_1 = vector.load %arg6[%get3A, %get3A_0] : memref<1000x1xf32, #tpu.memory_space<vmem>>, vector<1000x1xf32>
    %get3A_2 = arith.constant 0 : index
    %get3A_3 = arith.constant 0 : index
    %get3A_4 = vector.load %arg7[%get3A_2, %get3A_3] : memref<1x256xf32, #tpu.memory_space<vmem>>, vector<1x256xf32>
    %get3A_5 = arith.constant 0 : index
    %get3A_6 = arith.constant 0 : index
    %get3A_7 = vector.load %arg4[%get3A_5, %get3A_6] : memref<1000x128xf32, #tpu.memory_space<vmem>>, vector<1000x128xf32>
    %get3A_8 = arith.constant 0 : index
    %get3A_9 = arith.constant 0 : index
    %get3A_10 = vector.load %arg2[%get3A_8, %get3A_9] : memref<1000x128xf32, #tpu.memory_space<vmem>>, vector<1000x128xf32>
    %add3A = arith.addf %get3A_7, %get3A_10 : vector<1000x128xf32>
    %mul3A = vector.broadcast %get3A_1 : vector<1000x1xf32> to vector<1000x128xf32>
    %mul3A_11 = arith.mulf %mul3A, %add3A : vector<1000x128xf32>
    %slice3A = vector.extract_strided_slice %get3A_4 {offsets = [0, 0], sizes = [1, 128], strides = [1, 1]} : vector<1x256xf32> to vector<1x128xf32>
    %add3A_12 = vector.broadcast %slice3A : vector<1x128xf32> to vector<1000x128xf32>
    %add3A_13 = arith.addf %mul3A_11, %add3A_12 : vector<1000x128xf32>
    %get3A_14 = arith.constant 0 : index
    %get3A_15 = arith.constant 0 : index
    %get3A_16 = vector.load %arg5[%get3A_14, %get3A_15] : memref<1000x128xf32, #tpu.memory_space<vmem>>, vector<1000x128xf32>
    %get3A_17 = arith.constant 0 : index
    %get3A_18 = arith.constant 0 : index
    %get3A_19 = vector.load %arg3[%get3A_17, %get3A_18] : memref<1000x128xf32, #tpu.memory_space<vmem>>, vector<1000x128xf32>
    %add3A_20 = arith.addf %get3A_16, %get3A_19 : vector<1000x128xf32>
    %mul3A_21 = vector.broadcast %get3A_1 : vector<1000x1xf32> to vector<1000x128xf32>
    %mul3A_22 = arith.mulf %mul3A_21, %add3A_20 : vector<1000x128xf32>
    %slice3A_23 = vector.extract_strided_slice %get3A_4 {offsets = [0, 128], sizes = [1, 128], strides = [1, 1]} : vector<1x256xf32> to vector<1x128xf32>
    %add3A_24 = vector.broadcast %slice3A_23 : vector<1x128xf32> to vector<1000x128xf32>
    %add3A_25 = arith.addf %mul3A_22, %add3A_24 : vector<1000x128xf32>
    %get3A_26 = arith.constant 0 : index
    %get3A_27 = arith.constant 0 : index
    %get3A_28 = vector.load %arg1[%get3A_26, %get3A_27] : memref<1000x256xf32, #tpu.memory_space<vmem>>, vector<1000x256xf32>
    %max3A = arith.constant 0.000000e+00 : f32
    %max3A_29 = vector.broadcast %max3A : f32 to vector<1000x128xf32>
    %max3A_30 = arith.maximumf %add3A_13, %max3A_29 : vector<1000x128xf32>
    %slice3A_31 = vector.extract_strided_slice %get3A_28 {offsets = [0, 0], sizes = [1000, 128], strides = [1, 1]} : vector<1000x256xf32> to vector<1000x128xf32>
    %add3A_32 = arith.addf %max3A_30, %slice3A_31 : vector<1000x128xf32>
    %max3A_33 = arith.constant 0.000000e+00 : f32
    %max3A_34 = vector.broadcast %max3A_33 : f32 to vector<1000x128xf32>
    %max3A_35 = arith.maximumf %add3A_25, %max3A_34 : vector<1000x128xf32>
    %slice3A_36 = vector.extract_strided_slice %get3A_28 {offsets = [0, 128], sizes = [1000, 128], strides = [1, 1]} : vector<1000x256xf32> to vector<1000x128xf32>
    %add3A_37 = arith.addf %max3A_35, %slice3A_36 : vector<1000x128xf32>
    %get3A_38 = arith.constant 0 : index
    %get3A_39 = arith.constant 0 : index
    %get3A_40 = vector.load %arg8[%get3A_38, %get3A_39] : memref<256x128xf32, #tpu.memory_space<vmem>>, vector<256x128xf32>
    %slice3A_41 = vector.extract_strided_slice %get3A_40 {offsets = [0, 0], sizes = [128, 128], strides = [1, 1]} : vector<256x128xf32> to vector<128x128xf32>
    %dot_general3A = arith.constant dense<0.000000e+00> : vector<1000x128xf32>
    %dot_general3A_42 = tpu.matmul %add3A_32, %slice3A_41, %dot_general3A {dimension_numbers = #tpu.dot_dimension_numbers<[1], [0], [0], [1], [0, 0, 1, 1], [], []>, transpose_lhs_hint = false} : vector<1000x128xf32>, vector<128x128xf32>, vector<1000x128xf32> -> vector<1000x128xf32>
    %slice3A_43 = vector.extract_strided_slice %get3A_40 {offsets = [128, 0], sizes = [128, 128], strides = [1, 1]} : vector<256x128xf32> to vector<128x128xf32>
    %dot_general3A_44 = arith.constant dense<0.000000e+00> : vector<1000x128xf32>
    %dot_general3A_45 = tpu.matmul %add3A_37, %slice3A_43, %dot_general3A_44 {dimension_numbers = #tpu.dot_dimension_numbers<[1], [0], [0], [1], [0, 0, 1, 1], [], []>, transpose_lhs_hint = false} : vector<1000x128xf32>, vector<128x128xf32>, vector<1000x128xf32> -> vector<1000x128xf32>
    %add3A_46 = arith.addf %dot_general3A_42, %dot_general3A_45 : vector<1000x128xf32>
    %get3A_47 = arith.constant 0 : index
    %get3A_48 = arith.constant 0 : index
    %get3A_49 = vector.load %arg9[%get3A_47, %get3A_48] : memref<1x128xf32, #tpu.memory_space<vmem>>, vector<1x128xf32>
    %add3A_50 = vector.broadcast %get3A_49 : vector<1x128xf32> to vector<1000x128xf32>
    %add3A_51 = arith.addf %add3A_46, %add3A_50 : vector<1000x128xf32>
    %gt3A = arith.constant 0.000000e+00 : f32
    %gt3A_52 = vector.broadcast %gt3A : f32 to vector<1000x128xf32>
    %gt3A_53 = arith.cmpf ogt, %add3A_51, %gt3A_52 : vector<1000x128xf32>
    %mul3A_54 = arith.constant 0.00999999977 : f32
    %mul3A_55 = vector.broadcast %mul3A_54 : f32 to vector<1000x128xf32>
    %mul3A_56 = arith.mulf %mul3A_55, %add3A_51 : vector<1000x128xf32>
    %select_n3A = arith.select %gt3A_53, %add3A_51, %mul3A_56 : vector<1000x128xi1>, vector<1000x128xf32>
    %get3A_57 = arith.constant 0 : index
    %get3A_58 = arith.constant 0 : index
    %get3A_59 = vector.load %arg10[%get3A_57, %get3A_58] : memref<128x128xf32, #tpu.memory_space<vmem>>, vector<128x128xf32>
    %dot_general3A_60 = arith.constant dense<0.000000e+00> : vector<1000x128xf32>
    %dot_general3A_61 = tpu.matmul %select_n3A, %get3A_59, %dot_general3A_60 {dimension_numbers = #tpu.dot_dimension_numbers<[1], [0], [0], [1], [0, 0, 1, 1], [], []>, transpose_lhs_hint = false} : vector<1000x128xf32>, vector<128x128xf32>, vector<1000x128xf32> -> vector<1000x128xf32>
    %get3A_62 = arith.constant 0 : index
    %get3A_63 = arith.constant 0 : index
    %get3A_64 = vector.load %arg11[%get3A_62, %get3A_63] : memref<1x128xf32, #tpu.memory_space<vmem>>, vector<1x128xf32>
    %add3A_65 = vector.broadcast %get3A_64 : vector<1x128xf32> to vector<1000x128xf32>
    %add3A_66 = arith.addf %dot_general3A_61, %add3A_65 : vector<1000x128xf32>
    %gt3A_67 = arith.constant 0.000000e+00 : f32
    %gt3A_68 = vector.broadcast %gt3A_67 : f32 to vector<1000x128xf32>
    %gt3A_69 = arith.cmpf ogt, %add3A_66, %gt3A_68 : vector<1000x128xf32>
    %mul3A_70 = arith.constant 0.00999999977 : f32
    %mul3A_71 = vector.broadcast %mul3A_70 : f32 to vector<1000x128xf32>
    %mul3A_72 = arith.mulf %mul3A_71, %add3A_66 : vector<1000x128xf32>
    %select_n3A_73 = arith.select %gt3A_69, %add3A_66, %mul3A_72 : vector<1000x128xi1>, vector<1000x128xf32>
    %get3A_74 = arith.constant 0 : index
    %get3A_75 = arith.constant 0 : index
    %get3A_76 = vector.load %arg12[%get3A_74, %get3A_75] : memref<128x1xf32, #tpu.memory_space<vmem>>, vector<128x1xf32>
    %dot_general3A_77 = arith.constant dense<0.000000e+00> : vector<1000x1xf32>
    %dot_general3A_78 = tpu.matmul %select_n3A_73, %get3A_76, %dot_general3A_77 {dimension_numbers = #tpu.dot_dimension_numbers<[1], [0], [0], [1], [0, 0, 1, 1], [], []>, transpose_lhs_hint = false} : vector<1000x128xf32>, vector<128x1xf32>, vector<1000x1xf32> -> vector<1000x1xf32>
    %get3A_79 = arith.constant 0 : index
    %get3A_80 = arith.constant 0 : index
    %get3A_81 = vector.load %arg13[%get3A_79, %get3A_80] : memref<1x1xf32, #tpu.memory_space<vmem>>, vector<1x1xf32>
    %add3A_82 = vector.broadcast %get3A_81 : vector<1x1xf32> to vector<1000x1xf32>
    %add3A_83 = arith.addf %dot_general3A_78, %add3A_82 : vector<1000x1xf32>
    %max3A_84 = arith.constant 0.000000e+00 : f32
    %max3A_85 = vector.broadcast %max3A_84 : f32 to vector<1000x1xf32>
    %max3A_86 = arith.maximumf %add3A_83, %max3A_85 : vector<1000x1xf32>
    %abs3A = math.absf %add3A_83 : vector<1000x1xf32>
    %neg3A = arith.constant 0.000000e+00 : f32
    %neg3A_87 = vector.broadcast %neg3A : f32 to vector<1000x1xf32>
    %neg3A_88 = arith.subf %neg3A_87, %abs3A : vector<1000x1xf32>
    %exp3A = math.exp %neg3A_88 : vector<1000x1xf32>
    %log1p3A = math.log1p %exp3A : vector<1000x1xf32>
    %add3A_89 = arith.addf %max3A_86, %log1p3A : vector<1000x1xf32>
    %add3A_90 = arith.constant 9.99999968E-21 : f32
    %add3A_91 = vector.broadcast %add3A_90 : f32 to vector<1000x1xf32>
    %add3A_92 = arith.addf %add3A_89, %add3A_91 : vector<1000x1xf32>
    %swap3A = arith.constant 0 : index
    %swap3A_93 = arith.constant 0 : index
    %swap3A_94 = vector.load %arg14[%swap3A, %swap3A_93] : memref<1000x1xf32, #tpu.memory_space<vmem>>, vector<1000x1xf32>
    tpu.vector_store %arg14[%swap3A, %swap3A_93], %add3A_92 {strides = array<i32>} : memref<1000x1xf32, #tpu.memory_space<vmem>>, vector<1000x1xf32>,
    return
  }
  func.func @transform_0(%arg0: i32) -> (i32, i32) {
    %c0_i32 = arith.constant 0 : i32
    %c0_i32_0 = arith.constant 0 : i32
    return %arg0, %c0_i32 : i32, i32
  }
  func.func @transform_1(%arg0: i32) -> (i32, i32) {
    %c0_i32 = arith.constant 0 : i32
    %c0_i32_0 = arith.constant 0 : i32
    return %arg0, %c0_i32 : i32, i32
  }
  func.func @transform_2(%arg0: i32) -> (i32, i32) {
    %c0_i32 = arith.constant 0 : i32
    %c0_i32_0 = arith.constant 0 : i32
    return %arg0, %c0_i32 : i32, i32
  }
  func.func @transform_3(%arg0: i32) -> (i32, i32) {
    %c0_i32 = arith.constant 0 : i32
    %c0_i32_0 = arith.constant 0 : i32
    return %arg0, %c0_i32 : i32, i32
  }
  func.func @transform_4(%arg0: i32) -> (i32, i32) {
    %c0_i32 = arith.constant 0 : i32
    %c0_i32_0 = arith.constant 0 : i32
    return %arg0, %c0_i32 : i32, i32
  }
  func.func @transform_5(%arg0: i32) -> (i32, i32) {
    %c0_i32 = arith.constant 0 : i32
    %c0_i32_0 = arith.constant 0 : i32
    return %arg0, %c0_i32 : i32, i32
  }
  func.func @transform_6(%arg0: i32) -> (i32, i32) {
    %c0_i32 = arith.constant 0 : i32
    %c0_i32_0 = arith.constant 0 : i32
    %c0_i32_1 = arith.constant 0 : i32
    return %c0_i32, %c0_i32_0 : i32, i32
  }
  func.func @transform_7(%arg0: i32) -> (i32, i32) {
    %c0_i32 = arith.constant 0 : i32
    %c0_i32_0 = arith.constant 0 : i32
    %c0_i32_1 = arith.constant 0 : i32
    return %c0_i32, %c0_i32_0 : i32, i32
  }
  func.func @transform_8(%arg0: i32) -> (i32, i32) {
    %c0_i32 = arith.constant 0 : i32
    %c0_i32_0 = arith.constant 0 : i32
    %c0_i32_1 = arith.constant 0 : i32
    return %c0_i32, %c0_i32_0 : i32, i32
  }
  func.func @transform_9(%arg0: i32) -> (i32, i32) {
    %c0_i32 = arith.constant 0 : i32
    %c0_i32_0 = arith.constant 0 : i32
    %c0_i32_1 = arith.constant 0 : i32
    return %c0_i32, %c0_i32_0 : i32, i32
  }
  func.func @transform_10(%arg0: i32) -> (i32, i32) {
    %c0_i32 = arith.constant 0 : i32
    %c0_i32_0 = arith.constant 0 : i32
    %c0_i32_1 = arith.constant 0 : i32
    return %c0_i32, %c0_i32_0 : i32, i32
  }
  func.func @transform_11(%arg0: i32) -> (i32, i32) {
    %c0_i32 = arith.constant 0 : i32
    %c0_i32_0 = arith.constant 0 : i32
    %c0_i32_1 = arith.constant 0 : i32
    return %c0_i32, %c0_i32_0 : i32, i32
  }
  func.func @transform_12(%arg0: i32) -> (i32, i32) {
    %c0_i32 = arith.constant 0 : i32
    %c0_i32_0 = arith.constant 0 : i32
    %c0_i32_1 = arith.constant 0 : i32
    return %c0_i32, %c0_i32_0 : i32, i32
  }
  func.func @transform_13(%arg0: i32) -> (i32, i32) {
    %c0_i32 = arith.constant 0 : i32
    %c0_i32_0 = arith.constant 0 : i32
    return %arg0, %c0_i32 : i32, i32
  }
}

</mosaic_0001>

<sc_bundles>
// kernel: kernel.6.cloned.1.call-start
scs
__scs_entry_jumppad:
0x0: {  	(pc) =	sbr.rel $0x88, $3  }
0x1: {  	(tag) =	ssettag $0x0;
	lr =	simm.s32 $0x1  }
0x2: {  	[smem:$0x3F97] =	sst lr;
	_ =	strace $0xD0000000  }
0x3: {  	_ = 	snop  }
0x4: {  	_ = 	snop  }
0x5: {  	_ = 	snop  }
0x6: {  	_ = 	snop  }
0x7: {  	_ = 	snop  }
__scs_overlays_trampoline_lowered:
0x8: {  	[smem:$0x3FA6] =	sst s0  }
0x9: {  	[smem:$0x3FA7] =	sst s1  }
0xa: {  	[smem:$0x3FA8] =	sst s2  }
0xb: {  	[smem:$0x3FA9] =	sst s3  }
0xc: {  	[smem:$0x3FAA] =	sst s4  }
0xd: {  	[smem:$0x3FAB] =	sst s5  }
0xe: {  	[smem:$0x3FAC] =	sst s6  }
0xf: {  	[smem:$0x3FAD] =	sst s7  }
0x10: {  	[smem:$0x3FAE] =	sst s8  }
0x11: {  	[smem:$0x3FAF] =	sst s9;
	s0 =	simm.s32 @!p0 $0x0  }
0x12: {  	s1 =	sld [smem:$0x3F95];
	s0 =	simm.s32 @p0 $0x1  }
0x13: {  	[smem:$0x3FB0] =	sst s0;
	s0 =	simm.s32 @!p1 $0x0  }
0x14: {  	s2 =	sld [smem:$0x3F94];
	s0 =	simm.s32 @p1 $0x1  }
0x15: {  	[smem:$0x3FB1] =	sst s0;
	s0 =	simm.s32 @!p2 $0x0  }
0x16: {  	s3 =	sld [smem:$0x3FDB];
	s0 =	simm.s32 @p2 $0x1  }
0x17: {  	s4 =	simm.s32 $0x1BF5;
	[smem:$0x3FB3] =	sst s0  }
0x18: {  	s0 =	sld [smem:$0x3F96];
	_ =	swait.ge [sflag:s4], $0x0  }
0x19: {  	s7 =	sld [smem:$0x3F97]  }
0x1a: {  	s8 =	sadd.s32 $0xFFFFE003, lr  }
0x1b: {  	s9 =	sadd.s32 $0xFFFFFEF7, lr;
	s5 =	simm.s32 $0xFFFFFFFF;
	p2 =	slt.u32 s8, $0xFFFFF086  }
0x1c: {  	p1 =	slt.u32 s9, $0xF7A;
	s5 =	simm.s32 @!p2 $0x0  }
0x1d: {  	s5 =	simm.s32 @p1 $0x1;
	p0 =	seq.s32 s7, s2  }
0x1e: {  	s7 =	smul.u32 @!p0 $0xF7A, s2;
	p2 =	seq.s32 @!p0 s5, $0x0  }
0x1f: {  	s9 =	smul.u32 $0xF7A, s1;
	s8 =	simm.s32 @!p0 $0x1BF5;
	p2 =	por !p2, p0  }
0x20: {  	[sflag:s8] =	ssyncset.s32 @!p0 $0xFFFFF086;
	s6 =	sadd.s32 @!p0 s3, s7;
	s7 =	simm.s32 @!p0 $0x108  }
0x21: {  	s3 =	sadd.s32 s3, s9;
	s6 =	sadd.s32 @!p0 $0x88, s6;
	s7 =	simm.s32 @p2 $0x1082  }
0x22: {  	[simem:s7], [sflag:s8] =	dma.local @!p0 [hbm:s6], $0xF7A  }
0x23: {  	s9 =	sor.u32 $0xD0000000, s2;
	s6 =	simm.s32 $0x108;
	_ =	swait.ge @!p0 [sflag:s8], $0x0  }
0x24: {  	s3 =	sadd.s32 $0x88, s3;
	s6 =	simm.s32 @!p1 $0x1082;
	[sflag:s4] =	ssyncset.s32 $0xFFFFF086  }
0x25: {  	[simem:s6], [sflag:s4] =	dma.local [hbm:s3], $0xF7A  }
0x26: {  	[smem:$0x3F97] =	sst s1;
	(tag) =	ssettag s2;
	_ =	strace s9  }
0x27: {  	s1 =	sld [smem:$0x3FA7]  }
0x28: {  	s2 =	sld [smem:$0x3FA8]  }
0x29: {  	s4 =	sld [smem:$0x3FAA]  }
0x2a: {  	p0 =	seq.s32 s5, $0x0;
	s5 =	sld [smem:$0x3FAB]  }
0x2b: {  	s6 =	sld [smem:$0x3FAC]  }
0x2c: {  	s7 =	sld [smem:$0x3FAD]  }
0x2d: {  	s3 =	simm.s32 $0x108;
	s8 =	sld [smem:$0x3FAE]  }
0x2e: {  	s3 =	simm.s32 @!p0 $0x1082;
	s9 =	sld [smem:$0x3FAF]  }
0x2f: {  	lr =	sadd.s32 s0, s3;
	s0 =	sld [smem:$0x3FA6]  }
0x30: {  	s3 =	sld [smem:$0x3FA9]  }
0x31: {  	[smem:$0x3FB2] =	sst s10  }
0x32: {  	s10 =	sld [smem:$0x3FB0];
	_ =	sdelay $0x3  }
0x33: {  	p0 =	seq.s32 s10, $0x1;
	s10 =	sld [smem:$0x3FB2];
	_ =	sdelay $0x3  }
0x34: {  	[smem:$0x3FB2] =	sst s10  }
0x35: {  	s10 =	sld [smem:$0x3FB1];
	_ =	sdelay $0x3  }
0x36: {  	p1 =	seq.s32 s10, $0x1;
	s10 =	sld [smem:$0x3FB2];
	_ =	sdelay $0x3  }
0x37: {  	[smem:$0x3FB2] =	sst s10  }
0x38: {  	s10 =	sld [smem:$0x3FB3]  }
0x39: {  	_ = 	snop;
	(pc) =	sbr.ind lr, $3  }
0x3a: {  	_ = 	snop  }
0x3b: {  	_ = 	snop  }
0x3c: {  	p2 =	seq.s32 s10, $0x1;
	s10 =	sld [smem:$0x3FB2]  }
0x3d: {  	_ =	shalt  }
0x3e: {  	_ =	shalt  }
0x3f: {  	_ =	shalt  }
0x40: {  	_ =	shalt  }
0x41: {  	_ =	shalt  }
0x42: {  	_ =	shalt  }
0x43: {  	_ =	shalt  }
0x44: {  	_ =	shalt  }
0x45: {  	_ =	shalt  }
0x46: {  	_ =	shalt  }
0x47: {  	_ =	shalt  }
0x48: {  	_ =	shalt  }
0x49: {  	_ =	shalt  }
0x4a: {  	_ =	shalt  }
0x4b: {  	_ =	shalt  }
0x4c: {  	_ =	shalt  }
0x4d: {  	_ =	shalt  }
0x4e: {  	_ =	shalt  }
0x4f: {  	_ =	shalt  }
0x50: {  	_ =	shalt  }
0x51: {  	_ =	shalt  }
0x52: {  	_ =	shalt  }
0x53: {  	_ =	shalt  }
0x54: {  	_ =	shalt  }
0x55: {  	_ =	shalt  }
0x56: {  	_ =	shalt  }
0x57: {  	_ =	shalt  }
0x58: {  	_ =	shalt  }
0x59: {  	_ =	shalt  }
0x5a: {  	_ =	shalt  }
0x5b: {  	_ =	shalt  }
0x5c: {  	_ =	shalt  }
0x5d: {  	_ =	shalt  }
0x5e: {  	_ =	shalt  }
0x5f: {  	_ =	shalt  }
0x60: {  	_ =	shalt  }
0x61: {  	_ =	shalt  }
0x62: {  	_ =	shalt  }
0x63: {  	_ =	shalt  }
0x64: {  	_ =	shalt  }
0x65: {  	_ =	shalt  }
0x66: {  	_ =	shalt  }
0x67: {  	_ =	shalt  }
0x68: {  	_ =	shalt  }
0x69: {  	_ =	shalt  }
0x6a: {  	_ =	shalt  }
0x6b: {  	_ =	shalt  }
0x6c: {  	_ =	shalt  }
0x6d: {  	_ =	shalt  }
0x6e: {  	_ =	shalt  }
0x6f: {  	_ =	shalt  }
0x70: {  	_ =	shalt  }
0x71: {  	_ =	shalt  }
0x72: {  	_ =	shalt  }
0x73: {  	_ =	shalt  }
0x74: {  	_ =	shalt  }
0x75: {  	_ =	shalt  }
0x76: {  	_ =	shalt  }
0x77: {  	_ =	shalt  }
0x78: {  	_ =	shalt  }
0x79: {  	_ =	shalt  }
0x7a: {  	_ =	shalt  }
0x7b: {  	_ =	shalt  }
0x7c: {  	_ =	shalt  }
0x7d: {  	_ =	shalt  }
0x7e: {  	_ =	shalt  }
0x7f: {  	_ =	shalt  }
0x80: {  	_ =	shalt  }
0x81: {  	_ =	shalt  }
0x82: {  	_ =	shalt  }
0x83: {  	_ =	shalt  }
0x84: {  	_ =	shalt  }
0x85: {  	_ =	shalt  }
0x86: {  	_ =	shalt  }
0x87: {  	_ =	shalt  }
.Lfunc_end0:
.L_simem_size_0:
called_computation_lowered:
.L_overlay_start_0:
0x88: {  	s2 =	sld [smem:$0x3FD9]  }
0x89: {  	s3 =	sld [smem:$0x3FFE];
	_ =	sdelay $0x1  }
0x8a: {  	s1 =	srdreg.scid  }
0x8b: {  	s0 =	sand.u32 $0x1, s1  }
0x8c: {  	s17 =	sshll.u32 s0, $0xA;
	s2 =	sadd.s32 s3, s2  }
0x8d: {  	s2 =	sadd.s32 s2, s17  }
0x8e: {  	[smem:$0x3FBE] =	sst s2  }
0x8f: {  	_ = 	snop  }
0x90: {  	s2 =	sld [smem:$0x3FD0];
	(tm) =	ssettm $0x1  }
0x91: {  	s18 =	sld [smem:$0x3FFB];
	_ =	sdelay $0x3  }
0x92: {  	_ =	strace s18  }
0x93: {  	s3 =	sld [smem:$0x3FFC];
	_ =	sdelay $0x3  }
0x94: {  	_ =	strace s3  }
0x95: {  	s3 =	sld [smem:$0x3FFD];
	_ =	sdelay $0x3  }
0x96: {  	_ =	strace s3  }
0x97: {  	_ =	strace $0x8FFFFFFF  }
0x98: {  	s19 =	sld [smem:$0x3FDB];
	_ =	sdelay $0x1  }
0x99: {  	s4 =	simm.s32 $_scs_section_size  }
0x9a: {  	s5 =	simm.s32 $_size__tile_overlayer_lowered;
	s6 =	simm.s32 $_tile_overlayer_lowered  }
0x9b: {  	s22 =	simm.s32 $0x1BFF;
	s21 =	sshll.u32 s6, $0x1;
	s3 =	sadd.s32 s4, s19  }
0x9c: {  	s7 =	simm.s32 $0x0;
	s20 =	sshll.u32 s5, $0x1;
	s5 =	sadd.s32 s21, s3  }
0x9d: {  	[timem:s7], [sflag:s22] =	dma.local [hbm:s5], s20  }
0x9e: {  	_ =	swait.ge [sflag:s22], s20  }
0x9f: {  	s4 =	ssub.s32 $0x0, s20;
	[sflag:s22] =	ssyncset.done $0x0  }
0xa0: {  	[sflag:s22] =	ssyncadd.s32 s4;
	_ =	sdelay $0x1  }
0xa1: {  	s23 =	simm.s32 $0x1B8B  }
0xa2: {  	_ =	swait.ge [sflag:s23], $0x1  }
0xa3: {  	[sflag:s23] =	ssyncset.done $0x0  }
0xa4: {  	s25 =	simm.s32 $0x1B8E;
	s24 =	sld [smem:$0x3FFE];
	[sflag:s23] =	ssyncadd.s32 $0xFFFFFFFF  }
0xa5: {  	s26 =	simm.s32 $execute0_lowered;
	[smem:$0x3FD2] =	sst s25  }
0xa6: {  	s5 =	sshll.u32 s26, $0x1;
	_ =	strace $0x80000046;
	[dreg:$0x1] =	wrdreg $0xFFFFFFFF  }
0xa7: {  	s28 =	simm.s32 $_size_execute0_lowered;
	s3 =	sadd.s32 s3, s5;
	[dreg:$0x0] =	wrdreg $0x0  }
0xa8: {  	s5 =	sshll.u32 s28, $0x1;
	[dreg:$0x2] =	wrdreg s3  }
0xa9: {  	[dreg:$0x3] =	wrdreg s5  }
0xaa: {  	[dreg:$0x4] =	wrdreg $0xC0  }
0xab: {  	_ =	task [dreg:s7], $0x5FFFF  }
0xac: {  	[dreg:$0x1] =	wrdreg $0xFFFFFFFF  }
0xad: {  	[dreg:$0x0] =	wrdreg $0x60  }
0xae: {  	[dreg:$0x2] =	wrdreg s24  }
0xaf: {  	[dreg:$0x3] =	wrdreg s2  }
0xb0: {  	[dreg:$0x4] =	wrdreg $0x41000  }
0xb1: {  	[dreg:$0x5] =	wrdreg $0x9  }
0xb2: {  	_ =	task.clear_ibuf [dreg:s7], $0x6FFFF;
	_ =	strace $0x90000046  }
0xb3: {  	s29 =	simm.s32 $0x9;
	_ =	strace $0x80000048  }
0xb4: {  	_ =	swait.ge [sflag:s29], $0x1  }
0xb5: {  	[sflag:s29] =	ssyncadd.s32 $0xFFFFFFFF  }
0xb6: {  	_ =	strace $0x90000048  }
0xb7: {  	_ =	sfence  }
0xb8: {  	s30 =	sld [smem:$0x0];
	_ =	sdelay $0x2  }
0xb9: {  	s31 =	sshll.u32 s1, $0xD;
	s1 =	sshrl.u32 s1, $0x2  }
0xba: {  	s3 =	sand.u32 $0x4000, s31;
	s1 =	sadd.s32 s1, s30  }
0xbb: {  	s0 =	sor.u32 s3, s0;
	s1 =	sshll.u32 s1, $0x11  }
0xbc: {  	s0 =	sor.u32 s1, s0  }
0xbd: {  	s0 =	sadd.s32 $0x8F2B, s0  }
0xbe: {  	[sflag:s0] =	ssyncadd.remote.s32 $0x1  }
0xbf: {  	_ =	sfence.sel $0xFFFF  }
0xc0: {  	[dreg:$0x0] =	wrdreg $0xFFFFFFFF;
	(pc) =	sbr.abs _section_cstart, $3  }
0xc1: {  	[dreg:$0x1] =	wrdreg $0xFFFFFFFF  }
0xc2: {  	_ =	task.clear_ibuf [dreg:s7], $0x2FFFF;
	_ =	strace $0x9FFFFFFF  }
0xc3: {  	(tm) =	ssettm $0x7FFFFFFF  }
tec
execute0_lowered:
.L_overlay_start_1:
0x0: {  	(tag) =	ssettag $0x1  }
0x1: {  	s3 =	rddreg [dreg:$0x0]  }
0x2: {  	s7 =	rddreg [dreg:$0x1]  }
0x3: {  	s5 =	rddreg [dreg:$0x2]  }
0x4: {  	s0 =	rddreg [dreg:$0x3];
	s4 =	srdreg.scid  }
0x5: {  	s1 =	stileid.u32;
	s2 =	simm.s32 $0x0;
	s13 =	simm.s32 $0x3E80  }
0x6: {  	s14 =	simm.s32 $0x0;
	s4 =	sand.u32 $0x1, s4;
	s6 =	sshll.u32 s1, $0x1  }
0x7: {  	[smem:$0x7FF] =	sst s2;
	s9 =	sshrl.u32 s1, $0x3;
	s12 =	smul.u32 $0x5000, s1  }
0x8: {  	s11 =	sadd.s32 $0xBA00, s3;
	s28 =	sshll.u32 s1, $0x7;
	s31 =	smul.u32 $0x50, s1  }
0x9: {  	s6 =	sor.u32 s4, s6;
	s8 =	ssub.s32 $0x2, s4;
	_ =	strace $0x80000047  }
0xa: {  	s9 =	smul.u32 $0x50000, s9;
	s29 =	sand.u32 $0x380, s28;
	p0 =	seq.s32 s4, $0x1  }
0xb: {  	s6 =	smul.u32 $0x271, s6;
	s10 =	sshrl.u32 s8, $0x1;
	s30 =	sshrl.u32 s12, $0x2  }
0xc: {  	s7 =	smov.u32 @p0 s11;
	s11 =	simm.s32 $0x400;
	s12 =	simm.s32 $0x3C00  }
0xd: {  	s8 =	ssub.s32 s8, s10;
	s9 =	sshrl.u32 s9, $0x2;
	s7 =	sadd.s32 s7, s31  }
0xe: {  	s10 =	simm.s32 $0x80;
	s6 =	sadd.s32 s6, s3;
	s9 =	sadd.s32 s9, s5  }
0xf: {  	s5 =	sadd.s32 s30, s5;
	s3 =	sadd.s32 $0x6A00, s6;
	s4 =	sadd.s32 s29, s9  }
0x10: {  	v0 =	vimm.f32 $0.0e+00;
	v1 =	vimm.f32 $1.000000000e+00;
	s6 =	smax.u32 s8, $0x1;
	s8 =	simm.s32 $0x1;
	s9 =	simm.s32 $0x1400  }
.LBB2_1:
0x11: {  	s15 =	simm.s32 $0x40;
	s16 =	simm.s32 $0x0  }
.LBB2_2:
0x12: {  	p0 =	sne.s32 s15, $0x9FC0;
	[tilespmem:s16+$0x1400] =	vst v0;
	s16 =	smov.u32 s15;
	s15 =	sadd.s32 $0x40, s15  }
.Ltmp0:
0x13: {  	(pc) =	sbr.rel @p0 .LBB2_2-.Ltmp0, $2  }
0x14: {  	_ =	sdelay $0x2  }
0x15: {  	s16 =	sshra.s32 s16, $0x2  }
0x16: {  	[tilespmem:s16+$0x1400] =	vst v0;
	s15 =	simm.s32 $0x0  }
0x17: {  	[tilespmem:s15], [sflag:$0x1] =	stream.linear.gather [hbm4b:s3+s15], $0x1388, $0x38;
	[tilespmem:$0x6900] =	vst v63  }
0x18: {  	_ =	swait.ge [sflag:s8], $0x1388  }
0x19: {  	[sflag:s8] =	ssyncset.done $0x0  }
0x1a: {  	s16 =	simm.s32 $0x0;
	s15 =	simm.s32 $0x40;
	[sflag:s8] =	ssyncadd.s32 $0xFFFFEC78  }
.LBB2_4:
0x1b: {  	p0 =	sne.s32 s15, $0x4DC0;
	v2 =	vld [tilespmem:s16+$0x0];
	_ =	sdelay $0x3  }
.Ltmp1:
0x1c: {  	(pc) =	sbr.rel @p0 .LBB2_4-.Ltmp1, $2  }
0x1d: {  	_ =	sdelay $0x2  }
0x1e: {  	s16 =	sshra.s32 s15, $0x2;
	s15 =	sadd.s32 $0x40, s15;
	[tilespmem:v2+s9+$0x0] =	vst.idx.add.f32.msk $0xffff, v1  }
0x1f: {  	v2 =	vld [tilespmem:s16+$0x0];
	_ =	sdelay $0x7  }
0x20: {  	[tilespmem:v2+s9+$0x0] =	vst.idx.add.f32.msk $0xffff, v1  }
0x21: {  	v2 =	vld [tilespmem:$0x1380];
	_ =	sdelay $0x7  }
0x22: {  	[tilespmem:v2+s9+$0x0] =	vst.idx.add.f32.msk $0xff, v1  }
0x23: {  	[spmem:s4] =	stream.strided.scatter [tilespmem:s9], [sflag:$0x1], $0x2800, s11, s10, $0x38;
	[tilespmem:$0x6900] =	vst v63  }
0x24: {  	_ =	swait.ge [sflag:s8], $0x2800  }
0x25: {  	[sflag:s8] =	ssyncset.done $0x0  }
0x26: {  	[sflag:s8] =	ssyncadd.s32 $0xFFFFD800  }
0x27: {  	[bflag:$0x0] =	sbarrier.arrive $0xFFFF  }
0x28: {  	[tilespmem:$0x3E80] =	vst v0  }
0x29: {  	[tilespmem:$0x3E90] =	vst v0  }
0x2a: {  	[tilespmem:$0x3EA0] =	vst v0  }
0x2b: {  	[tilespmem:$0x3EB0] =	vst v0  }
0x2c: {  	[tilespmem:$0x3EC0] =	vst v0  }
0x2d: {  	[tilespmem:$0x3ED0] =	vst v0  }
0x2e: {  	[tilespmem:$0x3EE0] =	vst v0  }
0x2f: {  	[tilespmem:$0x3EF0] =	vst v0  }
0x30: {  	[tilespmem:$0x3F00] =	vst v0  }
0x31: {  	[tilespmem:$0x3F10] =	vst v0  }
0x32: {  	[tilespmem:$0x3F20] =	vst v0  }
0x33: {  	[tilespmem:$0x3F30] =	vst v0  }
0x34: {  	[tilespmem:$0x3F40] =	vst v0  }
0x35: {  	[tilespmem:$0x3F50] =	vst v0  }
0x36: {  	[tilespmem:$0x3F60] =	vst v0  }
0x37: {  	[tilespmem:$0x3F70] =	vst v0  }
0x38: {  	[tilespmem:$0x3F80] =	vst v0  }
0x39: {  	[tilespmem:$0x3F90] =	vst v0  }
0x3a: {  	[tilespmem:$0x3FA0] =	vst v0  }
0x3b: {  	[tilespmem:$0x3FB0] =	vst v0  }
0x3c: {  	[tilespmem:$0x3FC0] =	vst v0  }
0x3d: {  	[tilespmem:$0x3FD0] =	vst v0  }
0x3e: {  	[tilespmem:$0x3FE0] =	vst v0  }
0x3f: {  	[tilespmem:$0x3FF0] =	vst v0  }
0x40: {  	[tilespmem:$0x4000] =	vst v0  }
0x41: {  	[tilespmem:$0x4010] =	vst v0  }
0x42: {  	[tilespmem:$0x4020] =	vst v0  }
0x43: {  	[tilespmem:$0x4030] =	vst v0  }
0x44: {  	[tilespmem:$0x4040] =	vst v0  }
0x45: {  	[tilespmem:$0x4050] =	vst v0  }
0x46: {  	[tilespmem:$0x4060] =	vst v0  }
0x47: {  	[tilespmem:$0x4070] =	vst v0  }
0x48: {  	[tilespmem:$0x4080] =	vst v0  }
0x49: {  	[tilespmem:$0x4090] =	vst v0  }
0x4a: {  	[tilespmem:$0x40A0] =	vst v0  }
0x4b: {  	[tilespmem:$0x40B0] =	vst v0  }
0x4c: {  	[tilespmem:$0x40C0] =	vst v0  }
0x4d: {  	[tilespmem:$0x40D0] =	vst v0  }
0x4e: {  	[tilespmem:$0x40E0] =	vst v0  }
0x4f: {  	s15 =	simm.s32 $0x0;
	[tilespmem:$0x40F0] =	vst v0  }
.LBB2_6:
0x50: {  	s16 =	sshrl.u32 s15, $0x3  }
0x51: {  	s16 =	smul.u32 $0x50000, s16;
	_ =	sdelay $0x1  }
0x52: {  	s17 =	sshll.u32 s15, $0x7;
	s16 =	sshra.s32 s16, $0x2  }
0x53: {  	s17 =	sand.u32 $0x380, s17;
	s16 =	sadd.s32 s16, s5  }
0x54: {  	s16 =	sadd.s32 s17, s16  }
0x55: {  	[tilespmem:s12], [sflag:$0x1] =	stream.strided.gather [spmem:s16], $0x280, s11, s10, $0x38;
	[tilespmem:$0x6900] =	vst v63  }
0x56: {  	_ =	swait.ge [sflag:s8], $0x280  }
0x57: {  	[sflag:s8] =	ssyncset.done $0x0  }
0x58: {  	s16 =	simm.s32 $0x0;
	[sflag:s8] =	ssyncadd.s32 $0xFFFFFD80  }
0x59: {  	s17 =	simm.s32 $0x40;
	v2 =	vld [tilespmem:s16+$0x3C00]  }
.LBB2_7:
0x5a: {  	p0 =	sne.s32 s17, $0x9C0;
	v3 =	vld [tilespmem:s16+$0x3E80];
	_ =	sdelay $0x2  }
.Ltmp2:
0x5b: {  	(pc) =	sbr.rel @p0 .LBB2_7-.Ltmp2, $4  }
0x5c: {  	_ = 	snop  }
0x5d: {  	v3 =	vadd.f32 v2, v3  }
0x5e: {  	s18 =	sshra.s32 s17, $0x2  }
0x5f: {  	s17 =	sadd.s32 $0x40, s17;
	v2 =	vld [tilespmem:s18+$0x3C00];
	[tilespmem:s16+$0x3E80] =	vst v3;
	s16 =	smov.u32 s18  }
0x60: {  	v3 =	vld [tilespmem:s16+$0x3E80]  }
0x61: {  	s15 =	sadd.s32 $0x1, s15  }
0x62: {  	p0 =	sne.s32 s15, $0x10  }
.Ltmp3:
0x63: {  	_ = 	snop;
	(pc) =	sbr.rel @p0 .LBB2_6-.Ltmp3, $3  }
0x64: {  	_ = 	snop  }
0x65: {  	v2 =	vadd.f32 v2, v3;
	_ =	sdelay $0x1  }
0x66: {  	[tilespmem:s16+$0x3E80] =	vst v2  }
0x67: {  	s14 =	sadd.s32 $0x1, s14  }
0x68: {  	p0 =	sne.s32 s14, s6  }
.Ltmp4:
0x69: {  	_ = 	snop;
	(pc) =	sbr.rel @p0 .LBB2_1-.Ltmp4, $4  }
0x6a: {  	[hbm4b:s7+s2] =	stream.linear.scatter [tilespmem:s13], [sflag:$0x1], $0x280, $0x38;
	[tilespmem:$0x6900] =	vst v63  }
0x6b: {  	_ =	swait.ge [sflag:s8], $0x280  }
0x6c: {  	[sflag:s8] =	ssyncset.done $0x0  }
0x6d: {  	[sflag:s8] =	ssyncadd.s32 $0xFFFFFD80  }
0x6e: {  	_ =	sfence.sel $0x180000  }
0x6f: {  	[bflag:$0x0] =	sbarrier.arrive $0xFFFF  }
0x70: {  	p0 =	sne.s32 s1, $0x0;
	_ =	strace $0x90000047  }
0x71: {  	s0 =	sadd.s32 @!p0 $0x100000, s0;
	[bflag:$0x2] =	sbarrier.arrive $0xFFFF  }
0x72: {  	[sflag:s0] =	ssyncadd.tile.s32 @!p0 $0x1;
	_ =	shalt  }
.Lfunc_end2:
_tile_overlayer_lowered:
.L_overlay_start_2:
0x73: {  	(tag) =	ssettag $0x2  }
0x74: {  	s0 =	rddreg [dreg:$0x0];
	s2 =	stileid.u32  }
0x75: {  	s1 =	rddreg [dreg:$0x1];
	p0 =	sne.s32 s2, $0x0  }
0x76: {  	s3 =	rddreg [dreg:$0x2];
	[bflag:$0x3] =	sbarrier.arrive $0xFFFF;
	s2 =	simm.s32 @!p0 $0x1C01  }
0x77: {  	[timem:s3], [sflag:s2] =	dma.local @!p0 [hbm:s0], s1  }
0x78: {  	s0 =	simm.s32 @!p0 $0x1  }
0x79: {  	_ =	swait.ge @!p0 [sflag:s0], s1  }
0x7a: {  	s1 =	ssub.s32 @!p0 $0x0, s1;
	[sflag:s0] =	ssyncset.done @!p0 $0x0  }
0x7b: {  	[sflag:s0] =	ssyncadd.s32 @!p0 s1  }
0x7c: {  	[bflag:$0x3] =	sbarrier.arrive $0xFFFF  }
0x7d: {  	_ =	shalt  }

// kernel: kernel.9.cloned.1.call-start
scs
__scs_entry_jumppad:
0x0: {  	(pc) =	sbr.rel $0x88, $3  }
0x1: {  	(tag) =	ssettag $0x0;
	lr =	simm.s32 $0x1  }
0x2: {  	[smem:$0x3F97] =	sst lr;
	_ =	strace $0xD0000000  }
0x3: {  	_ = 	snop  }
0x4: {  	_ = 	snop  }
0x5: {  	_ = 	snop  }
0x6: {  	_ = 	snop  }
0x7: {  	_ = 	snop  }
__scs_overlays_trampoline_lowered:
0x8: {  	[smem:$0x3FA6] =	sst s0  }
0x9: {  	[smem:$0x3FA7] =	sst s1  }
0xa: {  	[smem:$0x3FA8] =	sst s2  }
0xb: {  	[smem:$0x3FA9] =	sst s3  }
0xc: {  	[smem:$0x3FAA] =	sst s4  }
0xd: {  	[smem:$0x3FAB] =	sst s5  }
0xe: {  	[smem:$0x3FAC] =	sst s6  }
0xf: {  	[smem:$0x3FAD] =	sst s7  }
0x10: {  	[smem:$0x3FAE] =	sst s8  }
0x11: {  	[smem:$0x3FAF] =	sst s9;
	s0 =	simm.s32 @!p0 $0x0  }
0x12: {  	s1 =	sld [smem:$0x3F95];
	s0 =	simm.s32 @p0 $0x1  }
0x13: {  	[smem:$0x3FB0] =	sst s0;
	s0 =	simm.s32 @!p1 $0x0  }
0x14: {  	s2 =	sld [smem:$0x3F94];
	s0 =	simm.s32 @p1 $0x1  }
0x15: {  	[smem:$0x3FB1] =	sst s0;
	s0 =	simm.s32 @!p2 $0x0  }
0x16: {  	s3 =	sld [smem:$0x3FDB];
	s0 =	simm.s32 @p2 $0x1  }
0x17: {  	s4 =	simm.s32 $0x1BF5;
	[smem:$0x3FB3] =	sst s0  }
0x18: {  	s0 =	sld [smem:$0x3F96];
	_ =	swait.ge [sflag:s4], $0x0  }
0x19: {  	s7 =	sld [smem:$0x3F97]  }
0x1a: {  	s8 =	sadd.s32 $0xFFFFE003, lr  }
0x1b: {  	s9 =	sadd.s32 $0xFFFFFEF7, lr;
	s5 =	simm.s32 $0xFFFFFFFF;
	p2 =	slt.u32 s8, $0xFFFFF086  }
0x1c: {  	p1 =	slt.u32 s9, $0xF7A;
	s5 =	simm.s32 @!p2 $0x0  }
0x1d: {  	s5 =	simm.s32 @p1 $0x1;
	p0 =	seq.s32 s7, s2  }
0x1e: {  	s7 =	smul.u32 @!p0 $0xF7A, s2;
	p2 =	seq.s32 @!p0 s5, $0x0  }
0x1f: {  	s9 =	smul.u32 $0xF7A, s1;
	s8 =	simm.s32 @!p0 $0x1BF5;
	p2 =	por !p2, p0  }
0x20: {  	[sflag:s8] =	ssyncset.s32 @!p0 $0xFFFFF086;
	s6 =	sadd.s32 @!p0 s3, s7;
	s7 =	simm.s32 @!p0 $0x108  }
0x21: {  	s3 =	sadd.s32 s3, s9;
	s6 =	sadd.s32 @!p0 $0x88, s6;
	s7 =	simm.s32 @p2 $0x1082  }
0x22: {  	[simem:s7], [sflag:s8] =	dma.local @!p0 [hbm:s6], $0xF7A  }
0x23: {  	s9 =	sor.u32 $0xD0000000, s2;
	s6 =	simm.s32 $0x108;
	_ =	swait.ge @!p0 [sflag:s8], $0x0  }
0x24: {  	s3 =	sadd.s32 $0x88, s3;
	s6 =	simm.s32 @!p1 $0x1082;
	[sflag:s4] =	ssyncset.s32 $0xFFFFF086  }
0x25: {  	[simem:s6], [sflag:s4] =	dma.local [hbm:s3], $0xF7A  }
0x26: {  	[smem:$0x3F97] =	sst s1;
	(tag) =	ssettag s2;
	_ =	strace s9  }
0x27: {  	s1 =	sld [smem:$0x3FA7]  }
0x28: {  	s2 =	sld [smem:$0x3FA8]  }
0x29: {  	s4 =	sld [smem:$0x3FAA]  }
0x2a: {  	p0 =	seq.s32 s5, $0x0;
	s5 =	sld [smem:$0x3FAB]  }
0x2b: {  	s6 =	sld [smem:$0x3FAC]  }
0x2c: {  	s7 =	sld [smem:$0x3FAD]  }
0x2d: {  	s3 =	simm.s32 $0x108;
	s8 =	sld [smem:$0x3FAE]  }
0x2e: {  	s3 =	simm.s32 @!p0 $0x1082;
	s9 =	sld [smem:$0x3FAF]  }
0x2f: {  	lr =	sadd.s32 s0, s3;
	s0 =	sld [smem:$0x3FA6]  }
0x30: {  	s3 =	sld [smem:$0x3FA9]  }
0x31: {  	[smem:$0x3FB2] =	sst s10  }
0x32: {  	s10 =	sld [smem:$0x3FB0];
	_ =	sdelay $0x3  }
0x33: {  	p0 =	seq.s32 s10, $0x1;
	s10 =	sld [smem:$0x3FB2];
	_ =	sdelay $0x3  }
0x34: {  	[smem:$0x3FB2] =	sst s10  }
0x35: {  	s10 =	sld [smem:$0x3FB1];
	_ =	sdelay $0x3  }
0x36: {  	p1 =	seq.s32 s10, $0x1;
	s10 =	sld [smem:$0x3FB2];
	_ =	sdelay $0x3  }
0x37: {  	[smem:$0x3FB2] =	sst s10  }
0x38: {  	s10 =	sld [smem:$0x3FB3]  }
0x39: {  	_ = 	snop;
	(pc) =	sbr.ind lr, $3  }
0x3a: {  	_ = 	snop  }
0x3b: {  	_ = 	snop  }
0x3c: {  	p2 =	seq.s32 s10, $0x1;
	s10 =	sld [smem:$0x3FB2]  }
0x3d: {  	_ =	shalt  }
0x3e: {  	_ =	shalt  }
0x3f: {  	_ =	shalt  }
0x40: {  	_ =	shalt  }
0x41: {  	_ =	shalt  }
0x42: {  	_ =	shalt  }
0x43: {  	_ =	shalt  }
0x44: {  	_ =	shalt  }
0x45: {  	_ =	shalt  }
0x46: {  	_ =	shalt  }
0x47: {  	_ =	shalt  }
0x48: {  	_ =	shalt  }
0x49: {  	_ =	shalt  }
0x4a: {  	_ =	shalt  }
0x4b: {  	_ =	shalt  }
0x4c: {  	_ =	shalt  }
0x4d: {  	_ =	shalt  }
0x4e: {  	_ =	shalt  }
0x4f: {  	_ =	shalt  }
0x50: {  	_ =	shalt  }
0x51: {  	_ =	shalt  }
0x52: {  	_ =	shalt  }
0x53: {  	_ =	shalt  }
0x54: {  	_ =	shalt  }
0x55: {  	_ =	shalt  }
0x56: {  	_ =	shalt  }
0x57: {  	_ =	shalt  }
0x58: {  	_ =	shalt  }
0x59: {  	_ =	shalt  }
0x5a: {  	_ =	shalt  }
0x5b: {  	_ =	shalt  }
0x5c: {  	_ =	shalt  }
0x5d: {  	_ =	shalt  }
0x5e: {  	_ =	shalt  }
0x5f: {  	_ =	shalt  }
0x60: {  	_ =	shalt  }
0x61: {  	_ =	shalt  }
0x62: {  	_ =	shalt  }
0x63: {  	_ =	shalt  }
0x64: {  	_ =	shalt  }
0x65: {  	_ =	shalt  }
0x66: {  	_ =	shalt  }
0x67: {  	_ =	shalt  }
0x68: {  	_ =	shalt  }
0x69: {  	_ =	shalt  }
0x6a: {  	_ =	shalt  }
0x6b: {  	_ =	shalt  }
0x6c: {  	_ =	shalt  }
0x6d: {  	_ =	shalt  }
0x6e: {  	_ =	shalt  }
0x6f: {  	_ =	shalt  }
0x70: {  	_ =	shalt  }
0x71: {  	_ =	shalt  }
0x72: {  	_ =	shalt  }
0x73: {  	_ =	shalt  }
0x74: {  	_ =	shalt  }
0x75: {  	_ =	shalt  }
0x76: {  	_ =	shalt  }
0x77: {  	_ =	shalt  }
0x78: {  	_ =	shalt  }
0x79: {  	_ =	shalt  }
0x7a: {  	_ =	shalt  }
0x7b: {  	_ =	shalt  }
0x7c: {  	_ =	shalt  }
0x7d: {  	_ =	shalt  }
0x7e: {  	_ =	shalt  }
0x7f: {  	_ =	shalt  }
0x80: {  	_ =	shalt  }
0x81: {  	_ =	shalt  }
0x82: {  	_ =	shalt  }
0x83: {  	_ =	shalt  }
0x84: {  	_ =	shalt  }
0x85: {  	_ =	shalt  }
0x86: {  	_ =	shalt  }
0x87: {  	_ =	shalt  }
.Lfunc_end0:
.L_simem_size_0:
called_computation.1_lowered:
.L_overlay_start_0:
0x88: {  	s2 =	sld [smem:$0x3FD9]  }
0x89: {  	s3 =	sld [smem:$0x3FFE];
	_ =	sdelay $0x1  }
0x8a: {  	s1 =	srdreg.scid  }
0x8b: {  	s0 =	sand.u32 $0x1, s1  }
0x8c: {  	s16 =	sshll.u32 s0, $0xA;
	s2 =	sadd.s32 s3, s2  }
0x8d: {  	s2 =	sadd.s32 s2, s16  }
0x8e: {  	[smem:$0x3FBE] =	sst s2  }
0x8f: {  	_ = 	snop  }
0x90: {  	(tm) =	ssettm $0x1  }
0x91: {  	s17 =	sld [smem:$0x3FFB];
	_ =	sdelay $0x3  }
0x92: {  	_ =	strace s17  }
0x93: {  	s2 =	sld [smem:$0x3FFC];
	_ =	sdelay $0x3  }
0x94: {  	_ =	strace s2  }
0x95: {  	s2 =	sld [smem:$0x3FFD];
	_ =	sdelay $0x3  }
0x96: {  	_ =	strace s2  }
0x97: {  	_ =	strace $0x8FFFFFFF  }
0x98: {  	s18 =	sld [smem:$0x3FDB];
	_ =	sdelay $0x1  }
0x99: {  	s19 =	simm.s32 $_scs_section_size  }
0x9a: {  	s4 =	simm.s32 $_size__tile_overlayer_lowered;
	s5 =	simm.s32 $_tile_overlayer_lowered  }
0x9b: {  	s22 =	simm.s32 $0x1BFF;
	s21 =	sshll.u32 s5, $0x1;
	s2 =	sadd.s32 s19, s18  }
0x9c: {  	s6 =	simm.s32 $0x0;
	s20 =	sshll.u32 s4, $0x1;
	s4 =	sadd.s32 s21, s2  }
0x9d: {  	[timem:s6], [sflag:s22] =	dma.local [hbm:s4], s20  }
0x9e: {  	_ =	swait.ge [sflag:s22], s20  }
0x9f: {  	s3 =	ssub.s32 $0x0, s20;
	[sflag:s22] =	ssyncset.done $0x0  }
0xa0: {  	[sflag:s22] =	ssyncadd.s32 s3;
	_ =	sdelay $0x1  }
0xa1: {  	s23 =	simm.s32 $0x1B8B  }
0xa2: {  	_ =	swait.ge [sflag:s23], $0x1  }
0xa3: {  	[sflag:s23] =	ssyncset.done $0x0  }
0xa4: {  	s25 =	simm.s32 $0x1B8E;
	s24 =	sld [smem:$0x3FFE];
	[sflag:s23] =	ssyncadd.s32 $0xFFFFFFFF  }
0xa5: {  	s26 =	simm.s32 $execute0_lowered;
	[smem:$0x3FD2] =	sst s25  }
0xa6: {  	s4 =	sshll.u32 s26, $0x1;
	_ =	strace $0x80000049;
	[dreg:$0x1] =	wrdreg $0xFFFFFFFF  }
0xa7: {  	s28 =	simm.s32 $_size_execute0_lowered;
	s2 =	sadd.s32 s2, s4;
	[dreg:$0x0] =	wrdreg $0x0  }
0xa8: {  	s4 =	sshll.u32 s28, $0x1;
	[dreg:$0x2] =	wrdreg s2  }
0xa9: {  	[dreg:$0x3] =	wrdreg s4  }
0xaa: {  	[dreg:$0x4] =	wrdreg $0xC0  }
0xab: {  	_ =	task [dreg:s6], $0x5FFFF  }
0xac: {  	[dreg:$0x1] =	wrdreg $0xFFFFFFFF  }
0xad: {  	[dreg:$0x0] =	wrdreg $0x60  }
0xae: {  	[dreg:$0x2] =	wrdreg s24  }
0xaf: {  	[dreg:$0x3] =	wrdreg $0x4A000  }
0xb0: {  	[dreg:$0x4] =	wrdreg $0x9  }
0xb1: {  	_ =	task.clear_ibuf [dreg:s6], $0x5FFFF;
	_ =	strace $0x90000049  }
0xb2: {  	s29 =	simm.s32 $0x9;
	_ =	strace $0x8000004B  }
0xb3: {  	_ =	swait.ge [sflag:s29], $0x1  }
0xb4: {  	[sflag:s29] =	ssyncadd.s32 $0xFFFFFFFF  }
0xb5: {  	_ =	strace $0x9000004B  }
0xb6: {  	_ =	sfence  }
0xb7: {  	s30 =	sld [smem:$0x0];
	_ =	sdelay $0x2  }
0xb8: {  	s31 =	sshll.u32 s1, $0xD;
	s1 =	sshrl.u32 s1, $0x2  }
0xb9: {  	s3 =	sand.u32 $0x4000, s31;
	s1 =	sadd.s32 s1, s30  }
0xba: {  	s0 =	sor.u32 s3, s0;
	s1 =	sshll.u32 s1, $0x11  }
0xbb: {  	s0 =	sor.u32 s1, s0  }
0xbc: {  	s0 =	sadd.s32 $0x8F2B, s0  }
0xbd: {  	[sflag:s0] =	ssyncadd.remote.s32 $0x1  }
0xbe: {  	_ =	sfence.sel $0xFFFF  }
0xbf: {  	[dreg:$0x0] =	wrdreg $0xFFFFFFFF;
	(pc) =	sbr.abs _section_cstart, $3  }
0xc0: {  	[dreg:$0x1] =	wrdreg $0xFFFFFFFF  }
0xc1: {  	_ =	task.clear_ibuf [dreg:s6], $0x2FFFF;
	_ =	strace $0x9FFFFFFF  }
0xc2: {  	(tm) =	ssettm $0x7FFFFFFF  }
0xc3: {  	_ =	shalt  }
tec
execute0_lowered:
.L_overlay_start_1:
0x0: {  	(tag) =	ssettag $0x1  }
0x1: {  	s7 =	rddreg [dreg:$0x0]  }
0x2: {  	s1 =	rddreg [dreg:$0x1];
	s2 =	simm.s32 $0x0;
	s3 =	stileid.u32  }
0x3: {  	s8 =	srdreg.scid;
	s20 =	simm.s32 $0x2;
	s21 =	simm.s32 $0x80  }
0x4: {  	s22 =	simm.s32 $0x1;
	s23 =	simm.s32 $0x4100;
	s24 =	simm.s32 $0x10  }
0x5: {  	s25 =	simm.s32 $0x4200;
	s26 =	simm.s32 $0x4180;
	s28 =	simm.s32 $0x0  }
0x6: {  	[smem:$0x7FF] =	sst s2;
	s4 =	sadd.s32 $0xBA00, s7;
	s5 =	sadd.s32 $0x32C00, s7  }
0x7: {  	s18 =	sadd.s32 $0x1A00, s7;
	s9 =	smul.u32 $0x2710, s3;
	s17 =	sadd.s32 $0x6A00, s7  }
0x8: {  	s0 =	sadd.s32 $0x59E00, s7;
	s8 =	sand.u32 $0x1, s8;
	s12 =	smul.u32 $0x50000, s3  }
0x9: {  	s7 =	sadd.s32 $0x81E00, s7;
	s19 =	smul.u32 $0x4E2, s3;
	_ =	strace $0x8000004A  }
0xa: {  	[dreg:$0x3] =	wrdreg s0;
	s10 =	ssub.s32 $0x2, s8;
	p0 =	seq.s32 s8, $0x1  }
0xb: {  	s9 =	sshrl.u32 s9, $0x3;
	s11 =	sshrl.u32 s10, $0x1;
	s31 =	sshrl.u32 s12, $0x2  }
.Ltmp0:
0xc: {  	s9 =	sadd.s32 $0x4E0, s9;
	s13 =	ssub.s32 s10, s11;
	(pc) =	sbr.rel .LBB2_1-.Ltmp0, $4  }
0xd: {  	s10 =	smul.u32 $0x2800, s3;
	s11 =	sadd.s32 s31, s1;
	s8 =	sadd.s32 s18, s9  }
0xe: {  	s9 =	sadd.s32 s17, s9;
	s12 =	smax.u32 s13, $0x1;
	s13 =	sadd.s32 $0x4000, s11  }
0xf: {  	s14 =	sadd.s32 $0x8000, s11;
	s15 =	sadd.s32 $0xC000, s11;
	s16 =	sadd.s32 $0x10000, s11  }
0x10: {  	v0 =	vimm.f32 $0.0e+00;
	s17 =	sadd.s32 s19, s17;
	s18 =	sadd.s32 s19, s18;
	s19 =	simm.s32 $0x100  }
.LBB2_6:
0x11: {  	s0 =	sadd.s32 s29, s18;
	[sflag:s20] =	ssyncadd.s32 $0xFFFFC000  }
0x12: {  	[tilespmem:s2], [sflag:$0x2] =	stream.linear.gather [hbm4b:s0+s2], $0x80, $0x38;
	[tilespmem:$0x18A00] =	vst v63  }
0x13: {  	_ =	swait.ge [sflag:s20], $0x80  }
0x14: {  	[sflag:s20] =	ssyncset.done $0x0  }
0x15: {  	[sflag:s20] =	ssyncadd.s32 $0xFFFFFF80  }
0x16: {  	[tilespmem:s19], [sflag:$0x1] =	stream.indirect.gather [hbm4b:s4+s21], $0x80, s2, s21, $0xb8;
	[tilespmem:$0x18A00] =	vst v63  }
0x17: {  	_ =	swait.ge [sflag:s22], $0x4000  }
0x18: {  	[sflag:s22] =	ssyncset.done $0x0  }
0x19: {  	s31 =	sadd.s32 s29, s17;
	[sflag:s22] =	ssyncadd.s32 $0xFFFFC000  }
0x1a: {  	[tilespmem:s21], [sflag:$0x2] =	stream.linear.gather [hbm4b:s31+s2], $0x80, $0x38;
	[tilespmem:$0x18A00] =	vst v63  }
0x1b: {  	_ =	swait.ge [sflag:s20], $0x80  }
0x1c: {  	[sflag:s20] =	ssyncset.done $0x0  }
0x1d: {  	[sflag:s20] =	ssyncadd.s32 $0xFFFFFF80  }
0x1e: {  	[spmem:s1] =	stream.indirect.scatter.add.f32 [tilespmem:s19], [sflag:$0x2], $0x80, s21, s21, $0xb8;
	[tilespmem:$0x18A00] =	vst v63  }
0x1f: {  	_ =	swait.ge [sflag:s20], $0x4000  }
0x20: {  	[sflag:s20] =	ssyncset.done $0x0  }
0x21: {  	s30 =	smov.u32 s4;
	s29 =	rddreg [dreg:$0x3];
	[sflag:s20] =	ssyncadd.s32 $0xFFFFC000  }
.LBB2_10:
0x22: {  	[tilespmem:s23], [sflag:$0x2] =	stream.linear.gather [hbm4b:s8+s2], $0x10, $0x38;
	[tilespmem:$0x18A00] =	vst v63  }
0x23: {  	_ =	swait.ge [sflag:s20], $0x10  }
0x24: {  	[sflag:s20] =	ssyncset.done $0x0  }
0x25: {  	[sflag:s20] =	ssyncadd.s32 $0xFFFFFFF0  }
0x26: {  	[tilespmem:s25], [sflag:$0x1] =	stream.indirect.gather [hbm4b:s30+s24], $0x80, s23, s24, $0xb8;
	[tilespmem:$0x18A00] =	vst v63  }
0x27: {  	_ =	swait.ge [sflag:s22], $0x800  }
0x28: {  	[sflag:s22] =	ssyncset.done $0x0  }
0x29: {  	[sflag:s22] =	ssyncadd.s32 $0xFFFFF800  }
0x2a: {  	[tilespmem:s26], [sflag:$0x2] =	stream.linear.gather [hbm4b:s9+s2], $0x10, $0x38;
	[tilespmem:$0x18A00] =	vst v63  }
0x2b: {  	_ =	swait.ge [sflag:s20], $0x10  }
0x2c: {  	[sflag:s20] =	ssyncset.done $0x0  }
0x2d: {  	[sflag:s20] =	ssyncadd.s32 $0xFFFFFFF0  }
0x2e: {  	[spmem:s1] =	stream.indirect.scatter.add.f32 [tilespmem:s25], [sflag:$0x2], $0x80, s26, s24, $0xb8;
	[tilespmem:$0x18A00] =	vst v63  }
0x2f: {  	s0 =	sadd.s32 s29, s10;
	_ =	swait.ge [sflag:s20], $0x800  }
0x30: {  	s6 =	sshll.u32 s3, $0x6;
	s28 =	sadd.s32 $0x1, s28;
	[sflag:s20] =	ssyncset.done $0x0  }
0x31: {  	s31 =	sshrl.u32 s11, $0x3;
	p1 =	sne.s32 s28, s12;
	[sflag:s20] =	ssyncadd.s32 $0xFFFFF800  }
.Ltmp1:
0x32: {  	s6 =	sor.u32 $0x1C02, s6;
	[bflag:$0x0] =	sbarrier.arrive $0xFFFF;
	(pc) =	sbr.rel @!p1 .LBB2_11-.Ltmp1, $4  }
0x33: {  	[hbm:s0], [sflag:s6] =	dma.local [spmem:s31], $0x2800  }
0x34: {  	_ =	swait.ge [sflag:s20], $0x2800  }
0x35: {  	[sflag:s20] =	ssyncset.done $0x0  }
0x36: {  	[sflag:s20] =	ssyncadd.s32 $0xFFFFD800  }
.LBB2_1:
0x37: {  	s29 =	sand.u32 $0xFE00, s2  }
0x38: {  	s30 =	sand.u32 $0x70, s2;
	s31 =	sshrl.u32 s29, $0x2  }
0x39: {  	s29 =	simm.s32 $0x40;
	s31 =	sor.u32 s30, s31;
	s30 =	simm.s32 $0x0  }
.LBB2_2:
0x3a: {  	p1 =	sne.s32 s29, $0xFFC0  }
0x3b: {  	[tilespmem:s31+$0x100] =	vst v0;
	s30 =	sadd.s32 $0x10, s30;
	s31 =	smov.u32 s29;
	s29 =	sadd.s32 $0x40, s29  }
.Ltmp2:
0x3c: {  	(pc) =	sbr.rel @p1 .LBB2_2-.Ltmp2, $4  }
0x3d: {  	_ = 	snop  }
0x3e: {  	s31 =	sand.u32 $0xFE00, s31  }
0x3f: {  	s0 =	sand.u32 $0x70, s30;
	s31 =	sshrl.u32 s31, $0x2  }
0x40: {  	s31 =	sor.u32 s0, s31  }
0x41: {  	[tilespmem:s31+$0x100] =	vst v0  }
0x42: {  	[spmem:s11] =	stream.linear.scatter [tilespmem:s19], [sflag:$0x2], $0x4000, $0x38;
	[tilespmem:$0x18A00] =	vst v63  }
0x43: {  	_ =	swait.ge [sflag:s20], $0x4000  }
0x44: {  	[sflag:s20] =	ssyncset.done $0x0  }
0x45: {  	[sflag:s20] =	ssyncadd.s32 $0xFFFFC000  }
0x46: {  	[spmem:s13] =	stream.linear.scatter [tilespmem:s19], [sflag:$0x2], $0x4000, $0x38;
	[tilespmem:$0x18A00] =	vst v63  }
0x47: {  	_ =	swait.ge [sflag:s20], $0x4000  }
0x48: {  	[sflag:s20] =	ssyncset.done $0x0  }
0x49: {  	[sflag:s20] =	ssyncadd.s32 $0xFFFFC000  }
0x4a: {  	[spmem:s14] =	stream.linear.scatter [tilespmem:s19], [sflag:$0x2], $0x4000, $0x38;
	[tilespmem:$0x18A00] =	vst v63  }
0x4b: {  	_ =	swait.ge [sflag:s20], $0x4000  }
0x4c: {  	[sflag:s20] =	ssyncset.done $0x0  }
0x4d: {  	[sflag:s20] =	ssyncadd.s32 $0xFFFFC000  }
0x4e: {  	[spmem:s15] =	stream.linear.scatter [tilespmem:s19], [sflag:$0x2], $0x4000, $0x38;
	[tilespmem:$0x18A00] =	vst v63  }
0x4f: {  	_ =	swait.ge [sflag:s20], $0x4000  }
0x50: {  	[sflag:s20] =	ssyncset.done $0x0  }
0x51: {  	[sflag:s20] =	ssyncadd.s32 $0xFFFFC000  }
0x52: {  	[spmem:s16] =	stream.linear.scatter [tilespmem:s19], [sflag:$0x2], $0x4000, $0x38;
	[tilespmem:$0x18A00] =	vst v63  }
.Ltmp3:
0x53: {  	_ =	swait.ge [sflag:s20], $0x4000;
	(pc) =	sbr.rel @!p0 .LBB2_4-.Ltmp3, $4  }
0x54: {  	[sflag:s20] =	ssyncset.done $0x0  }
0x55: {  	[sflag:s20] =	ssyncadd.s32 $0xFFFFC000  }
0x56: {  	[bflag:$0x0] =	sbarrier.arrive $0xFFFF  }
0x57: {  	s0 =	sadd.s32 $0x0, s18  }
0x58: {  	[tilespmem:s2], [sflag:$0x2] =	stream.linear.gather [hbm4b:s0+s2], $0x80, $0x38;
	[tilespmem:$0x18A00] =	vst v63  }
0x59: {  	_ =	swait.ge [sflag:s20], $0x80  }
0x5a: {  	[sflag:s20] =	ssyncset.done $0x0  }
0x5b: {  	[sflag:s20] =	ssyncadd.s32 $0xFFFFFF80  }
0x5c: {  	[tilespmem:s19], [sflag:$0x1] =	stream.indirect.gather [hbm4b:s5+s21], $0x80, s2, s21, $0xb8;
	[tilespmem:$0x18A00] =	vst v63  }
0x5d: {  	_ =	swait.ge [sflag:s22], $0x4000  }
0x5e: {  	[sflag:s22] =	ssyncset.done $0x0  }
0x5f: {  	s31 =	sadd.s32 $0x0, s17;
	[sflag:s22] =	ssyncadd.s32 $0xFFFFC000  }
0x60: {  	[tilespmem:s21], [sflag:$0x2] =	stream.linear.gather [hbm4b:s31+s2], $0x80, $0x38;
	[tilespmem:$0x18A00] =	vst v63  }
0x61: {  	_ =	swait.ge [sflag:s20], $0x80  }
0x62: {  	[sflag:s20] =	ssyncset.done $0x0  }
0x63: {  	[sflag:s20] =	ssyncadd.s32 $0xFFFFFF80  }
0x64: {  	[spmem:s1] =	stream.indirect.scatter.add.f32 [tilespmem:s19], [sflag:$0x2], $0x80, s21, s21, $0xb8;
	[tilespmem:$0x18A00] =	vst v63  }
0x65: {  	_ =	swait.ge [sflag:s20], $0x4000  }
0x66: {  	s29 =	simm.s32 $0x10;
	s30 =	simm.s32 $0x20;
	[sflag:s20] =	ssyncset.done $0x0  }
.LBB2_8:
0x67: {  	s0 =	sadd.s32 s29, s18  }
0x68: {  	[sflag:s20] =	ssyncadd.s32 $0xFFFFC000;
	s6 =	smov.u32 s30;
	s31 =	sadd.s32 $0x10, s30  }
0x69: {  	[tilespmem:s2], [sflag:$0x2] =	stream.linear.gather [hbm4b:s0+s2], $0x80, $0x38;
	[tilespmem:$0x18A00] =	vst v63  }
0x6a: {  	p1 =	sne.s32 s30, $0x4D0;
	_ =	swait.ge [sflag:s20], $0x80  }
0x6b: {  	[sflag:s20] =	ssyncset.done $0x0  }
0x6c: {  	[sflag:s20] =	ssyncadd.s32 $0xFFFFFF80  }
0x6d: {  	[tilespmem:s19], [sflag:$0x1] =	stream.indirect.gather [hbm4b:s5+s21], $0x80, s2, s21, $0xb8;
	[tilespmem:$0x18A00] =	vst v63  }
0x6e: {  	_ =	swait.ge [sflag:s22], $0x4000  }
0x6f: {  	[sflag:s22] =	ssyncset.done $0x0  }
0x70: {  	s0 =	sadd.s32 s29, s17;
	s29 =	smov.u32 s6;
	[sflag:s22] =	ssyncadd.s32 $0xFFFFC000  }
0x71: {  	[tilespmem:s21], [sflag:$0x2] =	stream.linear.gather [hbm4b:s0+s2], $0x80, $0x38;
	[tilespmem:$0x18A00] =	vst v63  }
0x72: {  	_ =	swait.ge [sflag:s20], $0x80  }
.Ltmp4:
0x73: {  	[sflag:s20] =	ssyncset.done $0x0;
	(pc) =	sbr.rel @p1 .LBB2_8-.Ltmp4, $4  }
0x74: {  	[sflag:s20] =	ssyncadd.s32 $0xFFFFFF80  }
0x75: {  	[spmem:s1] =	stream.indirect.scatter.add.f32 [tilespmem:s19], [sflag:$0x2], $0x80, s21, s21, $0xb8;
	[tilespmem:$0x18A00] =	vst v63  }
0x76: {  	_ =	swait.ge [sflag:s20], $0x4000  }
0x77: {  	s30 =	smov.u32 s31;
	[sflag:s20] =	ssyncset.done $0x0  }
0x78: {  	s0 =	sadd.s32 s29, s18;
	[sflag:s20] =	ssyncadd.s32 $0xFFFFC000  }
0x79: {  	[tilespmem:s2], [sflag:$0x2] =	stream.linear.gather [hbm4b:s0+s2], $0x80, $0x38;
	[tilespmem:$0x18A00] =	vst v63  }
0x7a: {  	_ =	swait.ge [sflag:s20], $0x80  }
0x7b: {  	[sflag:s20] =	ssyncset.done $0x0  }
0x7c: {  	[sflag:s20] =	ssyncadd.s32 $0xFFFFFF80  }
0x7d: {  	[tilespmem:s19], [sflag:$0x1] =	stream.indirect.gather [hbm4b:s5+s21], $0x80, s2, s21, $0xb8;
	[tilespmem:$0x18A00] =	vst v63  }
0x7e: {  	_ =	swait.ge [sflag:s22], $0x4000  }
0x7f: {  	[sflag:s22] =	ssyncset.done $0x0  }
0x80: {  	s31 =	sadd.s32 s29, s17;
	[sflag:s22] =	ssyncadd.s32 $0xFFFFC000  }
0x81: {  	[tilespmem:s21], [sflag:$0x2] =	stream.linear.gather [hbm4b:s31+s2], $0x80, $0x38;
	[tilespmem:$0x18A00] =	vst v63  }
0x82: {  	_ =	swait.ge [sflag:s20], $0x80  }
0x83: {  	[sflag:s20] =	ssyncset.done $0x0  }
.Ltmp5:
0x84: {  	[sflag:s20] =	ssyncadd.s32 $0xFFFFFF80;
	(pc) =	sbr.rel .LBB2_10-.Ltmp5, $4  }
0x85: {  	[spmem:s1] =	stream.indirect.scatter.add.f32 [tilespmem:s19], [sflag:$0x2], $0x80, s21, s21, $0xb8;
	[tilespmem:$0x18A00] =	vst v63  }
0x86: {  	_ =	swait.ge [sflag:s20], $0x4000  }
0x87: {  	[sflag:s20] =	ssyncset.done $0x0  }
0x88: {  	s30 =	smov.u32 s5;
	s29 =	smov.u32 s7;
	[sflag:s20] =	ssyncadd.s32 $0xFFFFC000  }
.LBB2_4:
0x89: {  	[tilespmem:s2], [sflag:$0x2] =	stream.linear.gather [hbm4b:s0+s2], $0x80, $0x38;
	[tilespmem:$0x18A00] =	vst v63  }
0x8a: {  	_ =	swait.ge [sflag:s20], $0x80  }
0x8b: {  	[sflag:s20] =	ssyncset.done $0x0  }
0x8c: {  	[sflag:s20] =	ssyncadd.s32 $0xFFFFFF80  }
0x8d: {  	[tilespmem:s19], [sflag:$0x1] =	stream.indirect.gather [hbm4b:s4+s21], $0x80, s2, s21, $0xb8;
	[tilespmem:$0x18A00] =	vst v63  }
0x8e: {  	_ =	swait.ge [sflag:s22], $0x4000  }
0x8f: {  	[sflag:s22] =	ssyncset.done $0x0  }
0x90: {  	s31 =	sadd.s32 $0x0, s17;
	[sflag:s22] =	ssyncadd.s32 $0xFFFFC000  }
0x91: {  	[tilespmem:s21], [sflag:$0x2] =	stream.linear.gather [hbm4b:s31+s2], $0x80, $0x38;
	[tilespmem:$0x18A00] =	vst v63  }
0x92: {  	_ =	swait.ge [sflag:s20], $0x80  }
0x93: {  	[sflag:s20] =	ssyncset.done $0x0  }
0x94: {  	[sflag:s20] =	ssyncadd.s32 $0xFFFFFF80  }
0x95: {  	[spmem:s1] =	stream.indirect.scatter.add.f32 [tilespmem:s19], [sflag:$0x2], $0x80, s21, s21, $0xb8;
	[tilespmem:$0x18A00] =	vst v63  }
0x96: {  	_ =	swait.ge [sflag:s20], $0x4000  }
0x97: {  	s29 =	simm.s32 $0x10;
	s30 =	simm.s32 $0x20;
	[sflag:s20] =	ssyncset.done $0x0  }
.LBB2_5:
0x98: {  	s0 =	sadd.s32 s29, s18  }
0x99: {  	[sflag:s20] =	ssyncadd.s32 $0xFFFFC000;
	s31 =	smov.u32 s30;
	s6 =	sadd.s32 $0x10, s30  }
0x9a: {  	[tilespmem:s2], [sflag:$0x2] =	stream.linear.gather [hbm4b:s0+s2], $0x80, $0x38;
	[tilespmem:$0x18A00] =	vst v63  }
0x9b: {  	p1 =	seq.s32 s30, $0x4D0;
	_ =	swait.ge [sflag:s20], $0x80  }
0x9c: {  	[sflag:s20] =	ssyncset.done $0x0  }
0x9d: {  	[sflag:s20] =	ssyncadd.s32 $0xFFFFFF80  }
0x9e: {  	[tilespmem:s19], [sflag:$0x1] =	stream.indirect.gather [hbm4b:s4+s21], $0x80, s2, s21, $0xb8;
	[tilespmem:$0x18A00] =	vst v63  }
0x9f: {  	_ =	swait.ge [sflag:s22], $0x4000  }
0xa0: {  	[sflag:s22] =	ssyncset.done $0x0  }
0xa1: {  	s0 =	sadd.s32 s29, s17;
	s29 =	smov.u32 s31;
	[sflag:s22] =	ssyncadd.s32 $0xFFFFC000  }
0xa2: {  	[tilespmem:s21], [sflag:$0x2] =	stream.linear.gather [hbm4b:s0+s2], $0x80, $0x38;
	[tilespmem:$0x18A00] =	vst v63  }
0xa3: {  	_ =	swait.ge [sflag:s20], $0x80  }
.Ltmp6:
0xa4: {  	[sflag:s20] =	ssyncset.done $0x0;
	(pc) =	sbr.rel @!p1 .LBB2_5-.Ltmp6, $4  }
0xa5: {  	[sflag:s20] =	ssyncadd.s32 $0xFFFFFF80  }
0xa6: {  	[spmem:s1] =	stream.indirect.scatter.add.f32 [tilespmem:s19], [sflag:$0x2], $0x80, s21, s21, $0xb8;
	[tilespmem:$0x18A00] =	vst v63  }
0xa7: {  	_ =	swait.ge [sflag:s20], $0x4000  }
0xa8: {  	s30 =	smov.u32 s6;
	[sflag:s20] =	ssyncset.done $0x0  }
.Ltmp7:
0xa9: {  	_ = 	snop;
	(pc) =	sbr.rel .LBB2_6-.Ltmp7, $1  }
0xaa: {  	_ =	sdelay $0x3  }
.LBB2_11:
0xab: {  	_ =	sfence.sel $0x180000  }
0xac: {  	[bflag:$0x0] =	sbarrier.arrive $0xFFFF  }
0xad: {  	_ =	strace $0x9000004A  }
0xae: {  	[bflag:$0x2] =	sbarrier.arrive $0xFFFF  }
0xaf: {  	p0 =	sne.s32 s3, $0x0;
	s0 =	rddreg [dreg:$0x2]  }
0xb0: {  	s0 =	sadd.s32 @!p0 $0x100000, s0  }
0xb1: {  	[sflag:s0] =	ssyncadd.tile.s32 @!p0 $0x1;
	_ =	shalt  }
.Lfunc_end2:
_tile_overlayer_lowered:
.L_overlay_start_2:
0xb2: {  	(tag) =	ssettag $0x2  }
0xb3: {  	s0 =	rddreg [dreg:$0x0];
	s2 =	stileid.u32  }
0xb4: {  	s1 =	rddreg [dreg:$0x1];
	p0 =	sne.s32 s2, $0x0  }
0xb5: {  	s3 =	rddreg [dreg:$0x2];
	[bflag:$0x3] =	sbarrier.arrive $0xFFFF;
	s2 =	simm.s32 @!p0 $0x1C02  }
0xb6: {  	[timem:s3], [sflag:s2] =	dma.local @!p0 [hbm:s0], s1  }
0xb7: {  	s0 =	simm.s32 @!p0 $0x2  }
0xb8: {  	_ =	swait.ge @!p0 [sflag:s0], s1  }
0xb9: {  	s1 =	ssub.s32 @!p0 $0x0, s1;
	[sflag:s0] =	ssyncset.done @!p0 $0x0  }
0xba: {  	[sflag:s0] =	ssyncadd.s32 @!p0 s1  }
0xbb: {  	[bflag:$0x3] =	sbarrier.arrive $0xFFFF  }
0xbc: {  	_ =	shalt  }

</sc_bundles>
